<compile_context>
chip_gen: v7x
topology: tpu7x:2x2x1
jax: 0.10.2.dev20260603
libtpu: 0.0.44.dev20260713+nightly
codegen_flags: <defaults>
</compile_context>

<pallas_src>
import functools

import jax
import jax.numpy as jnp
from jax import lax
from jax.experimental import pallas as pl
from jax.experimental.pallas import tpu as pltpu
from jax.experimental.pallas import tpu_sc as plsc

_T, _D, _DO, _E = 4096, 1024, 1024, 8
_BT = 256
_NT = _T // _BT
_NTILES = 2 * _T // _BT + _E
_SROWS = _NTILES * _BT
_NW = 32
_TPW = _T // _NW
_CH = 64


def _iota_e(rows):
    return lax.broadcasted_iota(jnp.int32, (rows, _E), 1)


def _router_weights(x, wr, br):
    logits = jnp.dot(x, wr, preferred_element_type=jnp.float32) + br
    m = jnp.max(logits, axis=-1, keepdims=True)
    p = jnp.exp(logits - m)
    w = p / jnp.sum(p, axis=-1, keepdims=True)
    rank = jnp.zeros_like(w)
    for j in range(_E):
        rank = rank + (w[:, j : j + 1] > w).astype(jnp.float32)
    return jnp.where(rank < 2.0, w, 0.0)


def _sides(sw):
    mask = sw > 0.0
    ie = _iota_e(sw.shape[0])
    e_lo = jnp.min(jnp.where(mask, ie, _E), axis=1, keepdims=True)
    e_hi = jnp.max(jnp.where(mask, ie, -1), axis=1, keepdims=True)
    w_lo = jnp.sum(jnp.where(ie == e_lo, sw, 0.0), axis=1, keepdims=True)
    w_hi = jnp.sum(jnp.where(ie == e_hi, sw, 0.0), axis=1, keepdims=True)
    return e_lo, e_hi, w_lo, w_hi


def _a_body(x_ref, wr_ref, br_ref,
            sw_ref, elo_ref, ehi_ref, plo_ref, phi_ref,
            gs_ref, texp_ref, cnt_ref):
    i = pl.program_id(0)

    @pl.when(i == 0)
    def _init():
        cnt_ref[...] = jnp.zeros((1, _E), jnp.float32)

    x = x_ref[...]
    sw = _router_weights(x, wr_ref[...], br_ref[...])
    sw_ref[...] = sw
    mask = (sw > 0.0).astype(jnp.float32)
    r = lax.broadcasted_iota(jnp.int32, (_BT, _BT), 0)
    c = lax.broadcasted_iota(jnp.int32, (_BT, _BT), 1)
    tri = (r > c).astype(jnp.bfloat16)
    rank_local = jnp.dot(tri, mask.astype(jnp.bfloat16),
                         preferred_element_type=jnp.float32)
    cnt = cnt_ref[...]
    posrel = cnt + rank_local
    e_lo, e_hi, _, _ = _sides(sw)
    ie = _iota_e(_BT)
    plo = jnp.sum(jnp.where(ie == e_lo, posrel, 0.0), axis=1, keepdims=True)
    phi = jnp.sum(jnp.where(ie == e_hi, posrel, 0.0), axis=1, keepdims=True)
    elo_ref[...] = e_lo
    ehi_ref[...] = e_hi
    plo_ref[...] = plo.astype(jnp.int32)
    phi_ref[...] = phi.astype(jnp.int32)
    cnt_new = cnt + jnp.sum(mask, axis=0, keepdims=True)
    cnt_ref[...] = cnt_new

    @pl.when(i == _NT - 1)
    def _finalize():
        ptiles = jnp.floor((cnt_new + (_BT - 1.0)) * (1.0 / _BT))
        re = lax.broadcasted_iota(jnp.int32, (_E, _E), 0)
        ce = lax.broadcasted_iota(jnp.int32, (_E, _E), 1)
        ex = (re < ce).astype(jnp.bfloat16)
        tstart = jnp.dot(ptiles.astype(jnp.bfloat16), ex,
                         preferred_element_type=jnp.float32)
        gs_ref[...] = (tstart * float(_BT)).astype(jnp.int32)
        texp = jnp.zeros((1, 64), jnp.float32)
        pp = lax.broadcasted_iota(jnp.int32, (1, 64), 1).astype(jnp.float32)
        for e in range(_E):
            ts_e = lax.slice(tstart, (0, e), (1, e + 1))
            texp = texp + (pp >= ts_e).astype(jnp.float32)
        texp_ref[...] = (texp - 1.0).astype(jnp.int32)


def _a2_body(plo_ref, phi_ref, elo_ref, ehi_ref, gs_ref, alo_ref, ahi_ref):
    gs = gs_ref[...].astype(jnp.float32)
    for (p_ref, e_ref, o_ref) in ((plo_ref, elo_ref, alo_ref),
                                  (phi_ref, ehi_ref, ahi_ref)):
        p = p_ref[...].astype(jnp.float32)
        e = e_ref[...]
        out = p
        for ex in range(_E):
            g = lax.slice(gs, (0, ex), (0 + 1, ex + 1))
            out = out + jnp.where(e == ex, g, 0.0)
        o_ref[...] = out.astype(jnp.int32)


def _d_body(texp_ref, xs_ref, web_ref, ys_ref):
    del texp_ref
    ys_ref[...] = jnp.dot(xs_ref[...].astype(jnp.bfloat16), web_ref[0],
                          preferred_element_type=jnp.float32)


def _e_body(y1_ref, y2_ref, sw_ref, be_ref, o_ref):
    sw = sw_ref[...]
    _, _, w_lo, w_hi = _sides(sw)
    acc = jnp.dot(sw, be_ref[...], preferred_element_type=jnp.float32)
    acc = acc + w_lo * y1_ref[...].astype(jnp.float32)
    acc = acc + w_hi * y2_ref[...].astype(jnp.float32)
    o_ref[...] = acc


_vector_mesh = None


def _get_mesh():
    global _vector_mesh
    if _vector_mesh is None:
        _vector_mesh = plsc.VectorSubcoreMesh(core_axis_name="c",
                                              subcore_axis_name="s")
    return _vector_mesh


def _sc_scatter(xb, plo, phi):
    @functools.partial(
        pl.kernel, mesh=_get_mesh(),
        out_type=jax.ShapeDtypeStruct((_SROWS, _D), jnp.float32),
        scratch_types=[
            pltpu.VMEM((_CH,), jnp.int32),
            pltpu.VMEM((_CH,), jnp.int32),
            pltpu.VMEM((_CH, _D), jnp.float32),
            pltpu.SemaphoreType.DMA,
        ],
    )
    def k(xb_hbm, plo_hbm, phi_hbm, xs_hbm, ilo_v, ihi_v, rows_v, sem):
        wid = lax.axis_index("s") * 2 + lax.axis_index("c")
        for c in range(_TPW // _CH):
            base = wid * _TPW + c * _CH
            pltpu.sync_copy(plo_hbm.at[pl.ds(base, _CH)], ilo_v)
            pltpu.sync_copy(phi_hbm.at[pl.ds(base, _CH)], ihi_v)
            pltpu.sync_copy(xb_hbm.at[pl.ds(base, _CH)], rows_v)
            cp1 = pltpu.async_copy(rows_v, xs_hbm.at[ilo_v], sem)
            cp2 = pltpu.async_copy(rows_v, xs_hbm.at[ihi_v], sem)
            cp1.wait()
            cp2.wait()

    return k(xb, plo, phi)


def _sc_gather(ys, plo, phi):
    @functools.partial(
        pl.kernel, mesh=_get_mesh(),
        out_type=[jax.ShapeDtypeStruct((_T, _DO), jnp.float32),
                  jax.ShapeDtypeStruct((_T, _DO), jnp.float32)],
        scratch_types=[
            pltpu.VMEM((_CH,), jnp.int32),
            pltpu.VMEM((_CH, _DO), jnp.float32),
            pltpu.SemaphoreType.DMA,
        ],
    )
    def k(ys_hbm, plo_hbm, phi_hbm, y1_hbm, y2_hbm, idx_v, rows_v, sem):
        wid = lax.axis_index("s") * 2 + lax.axis_index("c")
        for c in range(_TPW // _CH):
            base = wid * _TPW + c * _CH
            for (p_hbm, o_hbm) in ((plo_hbm, y1_hbm), (phi_hbm, y2_hbm)):
                pltpu.sync_copy(p_hbm.at[pl.ds(base, _CH)], idx_v)
                pltpu.async_copy(ys_hbm.at[idx_v], rows_v, sem).wait()
                pltpu.sync_copy(rows_v, o_hbm.at[pl.ds(base, _CH)])

    return k(ys, plo, phi)


def kernel(x, Wr, br, We, be):
    br2 = br.reshape(1, _E)
    web = We.astype(jnp.bfloat16)

    sw, elo, ehi, plo_r, phi_r, gs, texp = pl.pallas_call(
        _a_body,
        grid=(_NT,),
        in_specs=[
            pl.BlockSpec((_BT, _D), lambda i: (i, 0)),
            pl.BlockSpec((_D, _E), lambda i: (0, 0)),
            pl.BlockSpec((1, _E), lambda i: (0, 0)),
        ],
        out_specs=[
            pl.BlockSpec((_BT, _E), lambda i: (i, 0)),
            pl.BlockSpec((_BT, 1), lambda i: (i, 0)),
            pl.BlockSpec((_BT, 1), lambda i: (i, 0)),
            pl.BlockSpec((_BT, 1), lambda i: (i, 0)),
            pl.BlockSpec((_BT, 1), lambda i: (i, 0)),
            pl.BlockSpec((1, _E), lambda i: (0, 0)),
            pl.BlockSpec((1, 64), lambda i: (0, 0)),
        ],
        out_shape=[
            jax.ShapeDtypeStruct((_T, _E), jnp.float32),
            jax.ShapeDtypeStruct((_T, 1), jnp.int32),
            jax.ShapeDtypeStruct((_T, 1), jnp.int32),
            jax.ShapeDtypeStruct((_T, 1), jnp.int32),
            jax.ShapeDtypeStruct((_T, 1), jnp.int32),
            jax.ShapeDtypeStruct((1, _E), jnp.int32),
            jax.ShapeDtypeStruct((1, 64), jnp.int32),
        ],
        scratch_shapes=[pltpu.VMEM((1, _E), jnp.float32)],
        compiler_params=pltpu.CompilerParams(
            dimension_semantics=("arbitrary",),
        ),
    )(x, Wr, br2)

    plo, phi = pl.pallas_call(
        _a2_body,
        grid=(_NT,),
        in_specs=[
            pl.BlockSpec((_BT, 1), lambda i: (i, 0)),
            pl.BlockSpec((_BT, 1), lambda i: (i, 0)),
            pl.BlockSpec((_BT, 1), lambda i: (i, 0)),
            pl.BlockSpec((_BT, 1), lambda i: (i, 0)),
            pl.BlockSpec((1, _E), lambda i: (0, 0)),
        ],
        out_specs=[
            pl.BlockSpec((_BT, 1), lambda i: (i, 0)),
            pl.BlockSpec((_BT, 1), lambda i: (i, 0)),
        ],
        out_shape=[
            jax.ShapeDtypeStruct((_T, 1), jnp.int32),
            jax.ShapeDtypeStruct((_T, 1), jnp.int32),
        ],
    )(plo_r, phi_r, elo, ehi, gs)

    plo_f = plo.reshape(_T)
    phi_f = phi.reshape(_T)
    xs = _sc_scatter(x, plo_f, phi_f)

    ys = pl.pallas_call(
        _d_body,
        grid_spec=pltpu.PrefetchScalarGridSpec(
            num_scalar_prefetch=1,
            grid=(_NTILES,),
            in_specs=[
                pl.BlockSpec((_BT, _D), lambda i, texp_ref: (i, 0)),
                pl.BlockSpec((1, _D, _DO),
                             lambda i, texp_ref: (texp_ref[i], 0, 0)),
            ],
            out_specs=pl.BlockSpec((_BT, _DO), lambda i, texp_ref: (i, 0)),
        ),
        out_shape=jax.ShapeDtypeStruct((_SROWS, _DO), jnp.float32),
        compiler_params=pltpu.CompilerParams(
            dimension_semantics=("arbitrary",),
        ),
    )(texp.reshape(64), xs, web)

    y1, y2 = _sc_gather(ys, plo_f, phi_f)

    return pl.pallas_call(
        _e_body,
        grid=(_NT,),
        in_specs=[
            pl.BlockSpec((_BT, _DO), lambda i: (i, 0)),
            pl.BlockSpec((_BT, _DO), lambda i: (i, 0)),
            pl.BlockSpec((_BT, _E), lambda i: (i, 0)),
            pl.BlockSpec((_E, _DO), lambda i: (0, 0)),
        ],
        out_specs=pl.BlockSpec((_BT, _DO), lambda i: (i, 0)),
        out_shape=jax.ShapeDtypeStruct((_T, _DO), jnp.float32),
    )(y1, y2, sw, be)

# --- scband reference (transcript-rebuilt; emitter-appended) ---
"""Pipeline reference for scband-mo-elayer-28527172780239 (READ-ONLY COPY).

The authoritative reference and input builder live on the scoring server;
editing this copy changes nothing except your own understanding.
"""

import jax, jax.numpy as jnp
import numpy as np

T = 4096
D = 1024
DO = 1024
E = 8
K = 2

def setup_inputs(seed: int = 0) -> dict:
    key = jax.random.key(seed)
    k1, k2, k3, k4, k5 = jax.random.split(key, 5)
    x = jax.random.normal(k1, (T, D), dtype=jnp.float32)
    # router: nn.Linear(D, E)
    Wr = jax.random.normal(k2, (D, E), dtype=jnp.float32) * (1.0 / np.sqrt(D))
    br = jax.random.normal(k3, (E,), dtype=jnp.float32) * 0.01
    # experts: E x nn.Linear(D, DO), stacked
    We = jax.random.normal(k4, (E, D, DO), dtype=jnp.float32) * (1.0 / np.sqrt(D))
    be = jax.random.normal(k5, (E, DO), dtype=jnp.float32) * 0.01
    return {"x": x, "Wr": Wr, "br": br, "We": We, "be": be}

def reference(x, Wr, br, We, be):
    # router_logits = self.router(x)
    router_logits = x @ Wr + br                      # [T, E]
    router_weights = jax.nn.softmax(router_logits, axis=-1)
    # top-k sparsification (k < num_experts): zeros + scatter overwrite
    top_k_weights, top_k_indices = jax.lax.top_k(router_weights, K)
    rows = jnp.arange(router_weights.shape[0])[:, None]
    sparse_weights = jnp.zeros_like(router_weights).at[rows, top_k_indices].set(top_k_weights)
    # expert_outputs = stack([expert(x) for expert in experts], dim=-2) -> [T, E, DO]
    expert_outputs = jnp.einsum('td,edo->teo', x, We) + be[None, :, :]
    # weighted sum over experts
    out = jnp.sum(expert_outputs * sparse_weights[:, :, None], axis=1)   # [T, DO]
    return out

if __name__ == "__main__":
    import jax
    _d = setup_inputs()
    print(jax.jit(kernel)(*tuple(_d.values())))

</pallas_src>

<mosaic_0001>
#map = affine_map<(d0, d1) -> (0, 0)>
#map1 = affine_map<(d0, d1) -> (0)>
module attributes {stable_mosaic.version = 14 : i64} {
  func.func @k(%arg0: i32, %arg1: i32, %arg2: memref<10240x1024xf32, #tpu.memory_space<hbm>>, %arg3: memref<4096xi32, #tpu.memory_space<hbm>>, %arg4: memref<4096xi32, #tpu.memory_space<hbm>>, %arg5: memref<4096x1024xf32, #tpu.memory_space<hbm>>, %arg6: memref<4096x1024xf32, #tpu.memory_space<hbm>>, %arg7: memref<64xi32, #tpu.memory_space<vmem>>, %arg8: memref<64x1024xf32, #tpu.memory_space<vmem>>, %arg9: memref<!tpu.dma_semaphore, #tpu.memory_space<semaphore_mem>>) attributes {dimension_semantics = [#tpu.dimension_semantics<core_parallel>, #tpu.dimension_semantics<subcore_parallel>], iteration_bounds = array<i64: 2, 16>, scalar_prefetch = 0 : i64, scratch_operands = 3 : i64, tpu.core_type = #tpu.core_type<sc_vector_subcore>, window_params = [{transform_indices = #map}, {transform_indices = #map1}, {transform_indices = #map1}, {transform_indices = #map}, {transform_indices = #map}]} {
    %mul3A = arith.constant 2 : i32
    %mul3A_0 = arith.muli %arg1, %mul3A : i32
    %add3A = arith.addi %mul3A_0, %arg0 : i32
    %mul3A_1 = arith.constant 128 : i32
    %mul3A_2 = arith.muli %add3A, %mul3A_1 : i32
    %add3A_3 = arith.constant 0 : i32
    %add3A_4 = arith.addi %mul3A_2, %add3A_3 : i32
    "tpu.region"() ({
      %run_scoped3A = tpu.sem_alloc : memref<!tpu.dma_semaphore, #tpu.memory_space<semaphore_mem>>
      %dma_start3A_31 = tpu.memref_slice %arg3[%add3A_4] : memref<4096xi32, #tpu.memory_space<hbm>> -> memref<64xi32, #tpu.memory_space<hbm>>
      %dma_start3A_32 = tpu.memref_slice %arg3[%add3A_4] : memref<4096xi32, #tpu.memory_space<hbm>> -> memref<64xi32, #tpu.memory_space<hbm>>
      tpu.enqueue_dma source(%dma_start3A_32 : memref<64xi32, #tpu.memory_space<hbm>>) target(%arg7 : memref<64xi32, #tpu.memory_space<vmem>>) target_semaphore(%run_scoped3A : memref<!tpu.dma_semaphore, #tpu.memory_space<semaphore_mem>>)
      %dma_wait3A_33 = tpu.memref_slice %arg3[%add3A_4] : memref<4096xi32, #tpu.memory_space<hbm>> -> memref<64xi32, #tpu.memory_space<hbm>>
      %dma_wait3A_34 = tpu.memref_slice %arg3[%add3A_4] : memref<4096xi32, #tpu.memory_space<hbm>> -> memref<64xi32, #tpu.memory_space<hbm>>
      tpu.wait_dma2 semaphore(%run_scoped3A : memref<!tpu.dma_semaphore, #tpu.memory_space<semaphore_mem>>) src(%dma_wait3A_34 : memref<64xi32, #tpu.memory_space<hbm>>) dst(%arg7 : memref<64xi32, #tpu.memory_space<vmem>>)
      tpu.yield
    }) : () -> ()
    %dma_start3A = arith.constant 0 : i32
    %dma_start3A_5 = arith.constant 0 : i32
    %dma_start3A_6 = tpu.memref_slice %arg2[%dma_start3A, %dma_start3A_5] : memref<10240x1024xf32, #tpu.memory_space<hbm>> -> memref<10240x1024xf32, #tpu.memory_space<hbm>>
    tpu.enqueue_indirect_dma source(%dma_start3A_6 : memref<10240x1024xf32, #tpu.memory_space<hbm>>) target(%arg8 : memref<64x1024xf32, #tpu.memory_space<vmem>>) offsets(%arg7 : memref<64xi32, #tpu.memory_space<vmem>>) semaphore(%arg9 : memref<!tpu.dma_semaphore, #tpu.memory_space<semaphore_mem>>)
    %dma_wait3A = arith.constant 0 : i32
    %dma_wait3A_7 = arith.constant 0 : i32
    %dma_wait3A_8 = tpu.memref_slice %arg2[%dma_wait3A, %dma_wait3A_7] : memref<10240x1024xf32, #tpu.memory_space<hbm>> -> memref<10240x1024xf32, #tpu.memory_space<hbm>>
    tpu.wait_indirect_dma semaphore(%arg9 : memref<!tpu.dma_semaphore, #tpu.memory_space<semaphore_mem>>) src(%dma_wait3A_8 : memref<10240x1024xf32, #tpu.memory_space<hbm>>) dst(%arg8 : memref<64x1024xf32, #tpu.memory_space<vmem>>)
    "tpu.region"() ({
      %run_scoped3A = tpu.sem_alloc : memref<!tpu.dma_semaphore, #tpu.memory_space<semaphore_mem>>
      %dma_start3A_31 = arith.constant 0 : i32
      %dma_start3A_32 = tpu.memref_slice %arg5[%add3A_4, %dma_start3A_31] : memref<4096x1024xf32, #tpu.memory_space<hbm>> -> memref<64x1024xf32, #tpu.memory_space<hbm>>
      %dma_start3A_33 = arith.constant 0 : i32
      %dma_start3A_34 = tpu.memref_slice %arg5[%add3A_4, %dma_start3A_33] : memref<4096x1024xf32, #tpu.memory_space<hbm>> -> memref<64x1024xf32, #tpu.memory_space<hbm>>
      tpu.enqueue_dma source(%arg8 : memref<64x1024xf32, #tpu.memory_space<vmem>>) target(%dma_start3A_34 : memref<64x1024xf32, #tpu.memory_space<hbm>>) target_semaphore(%run_scoped3A : memref<!tpu.dma_semaphore, #tpu.memory_space<semaphore_mem>>)
      %dma_wait3A_35 = arith.constant 0 : i32
      %dma_wait3A_36 = tpu.memref_slice %arg5[%add3A_4, %dma_wait3A_35] : memref<4096x1024xf32, #tpu.memory_space<hbm>> -> memref<64x1024xf32, #tpu.memory_space<hbm>>
      %dma_wait3A_37 = arith.constant 0 : i32
      %dma_wait3A_38 = tpu.memref_slice %arg5[%add3A_4, %dma_wait3A_37] : memref<4096x1024xf32, #tpu.memory_space<hbm>> -> memref<64x1024xf32, #tpu.memory_space<hbm>>
      tpu.wait_dma2 semaphore(%run_scoped3A : memref<!tpu.dma_semaphore, #tpu.memory_space<semaphore_mem>>) src(%arg8 : memref<64x1024xf32, #tpu.memory_space<vmem>>) dst(%dma_wait3A_38 : memref<64x1024xf32, #tpu.memory_space<hbm>>)
      tpu.yield
    }) : () -> ()
    "tpu.region"() ({
      %run_scoped3A = tpu.sem_alloc : memref<!tpu.dma_semaphore, #tpu.memory_space<semaphore_mem>>
      %dma_start3A_31 = tpu.memref_slice %arg4[%add3A_4] : memref<4096xi32, #tpu.memory_space<hbm>> -> memref<64xi32, #tpu.memory_space<hbm>>
      %dma_start3A_32 = tpu.memref_slice %arg4[%add3A_4] : memref<4096xi32, #tpu.memory_space<hbm>> -> memref<64xi32, #tpu.memory_space<hbm>>
      tpu.enqueue_dma source(%dma_start3A_32 : memref<64xi32, #tpu.memory_space<hbm>>) target(%arg7 : memref<64xi32, #tpu.memory_space<vmem>>) target_semaphore(%run_scoped3A : memref<!tpu.dma_semaphore, #tpu.memory_space<semaphore_mem>>)
      %dma_wait3A_33 = tpu.memref_slice %arg4[%add3A_4] : memref<4096xi32, #tpu.memory_space<hbm>> -> memref<64xi32, #tpu.memory_space<hbm>>
      %dma_wait3A_34 = tpu.memref_slice %arg4[%add3A_4] : memref<4096xi32, #tpu.memory_space<hbm>> -> memref<64xi32, #tpu.memory_space<hbm>>
      tpu.wait_dma2 semaphore(%run_scoped3A : memref<!tpu.dma_semaphore, #tpu.memory_space<semaphore_mem>>) src(%dma_wait3A_34 : memref<64xi32, #tpu.memory_space<hbm>>) dst(%arg7 : memref<64xi32, #tpu.memory_space<vmem>>)
      tpu.yield
    }) : () -> ()
    %dma_start3A_9 = arith.constant 0 : i32
    %dma_start3A_10 = arith.constant 0 : i32
    %dma_start3A_11 = tpu.memref_slice %arg2[%dma_start3A_9, %dma_start3A_10] : memref<10240x1024xf32, #tpu.memory_space<hbm>> -> memref<10240x1024xf32, #tpu.memory_space<hbm>>
    tpu.enqueue_indirect_dma source(%dma_start3A_11 : memref<10240x1024xf32, #tpu.memory_space<hbm>>) target(%arg8 : memref<64x1024xf32, #tpu.memory_space<vmem>>) offsets(%arg7 : memref<64xi32, #tpu.memory_space<vmem>>) semaphore(%arg9 : memref<!tpu.dma_semaphore, #tpu.memory_space<semaphore_mem>>)
    %dma_wait3A_12 = arith.constant 0 : i32
    %dma_wait3A_13 = arith.constant 0 : i32
    %dma_wait3A_14 = tpu.memref_slice %arg2[%dma_wait3A_12, %dma_wait3A_13] : memref<10240x1024xf32, #tpu.memory_space<hbm>> -> memref<10240x1024xf32, #tpu.memory_space<hbm>>
    tpu.wait_indirect_dma semaphore(%arg9 : memref<!tpu.dma_semaphore, #tpu.memory_space<semaphore_mem>>) src(%dma_wait3A_14 : memref<10240x1024xf32, #tpu.memory_space<hbm>>) dst(%arg8 : memref<64x1024xf32, #tpu.memory_space<vmem>>)
    "tpu.region"() ({
      %run_scoped3A = tpu.sem_alloc : memref<!tpu.dma_semaphore, #tpu.memory_space<semaphore_mem>>
      %dma_start3A_31 = arith.constant 0 : i32
      %dma_start3A_32 = tpu.memref_slice %arg6[%add3A_4, %dma_start3A_31] : memref<4096x1024xf32, #tpu.memory_space<hbm>> -> memref<64x1024xf32, #tpu.memory_space<hbm>>
      %dma_start3A_33 = arith.constant 0 : i32
      %dma_start3A_34 = tpu.memref_slice %arg6[%add3A_4, %dma_start3A_33] : memref<4096x1024xf32, #tpu.memory_space<hbm>> -> memref<64x1024xf32, #tpu.memory_space<hbm>>
      tpu.enqueue_dma source(%arg8 : memref<64x1024xf32, #tpu.memory_space<vmem>>) target(%dma_start3A_34 : memref<64x1024xf32, #tpu.memory_space<hbm>>) target_semaphore(%run_scoped3A : memref<!tpu.dma_semaphore, #tpu.memory_space<semaphore_mem>>)
      %dma_wait3A_35 = arith.constant 0 : i32
      %dma_wait3A_36 = tpu.memref_slice %arg6[%add3A_4, %dma_wait3A_35] : memref<4096x1024xf32, #tpu.memory_space<hbm>> -> memref<64x1024xf32, #tpu.memory_space<hbm>>
      %dma_wait3A_37 = arith.constant 0 : i32
      %dma_wait3A_38 = tpu.memref_slice %arg6[%add3A_4, %dma_wait3A_37] : memref<4096x1024xf32, #tpu.memory_space<hbm>> -> memref<64x1024xf32, #tpu.memory_space<hbm>>
      tpu.wait_dma2 semaphore(%run_scoped3A : memref<!tpu.dma_semaphore, #tpu.memory_space<semaphore_mem>>) src(%arg8 : memref<64x1024xf32, #tpu.memory_space<vmem>>) dst(%dma_wait3A_38 : memref<64x1024xf32, #tpu.memory_space<hbm>>)
      tpu.yield
    }) : () -> ()
    %mul3A_15 = arith.constant 128 : i32
    %mul3A_16 = arith.muli %add3A, %mul3A_15 : i32
    %add3A_17 = arith.constant 64 : i32
    %add3A_18 = arith.addi %mul3A_16, %add3A_17 : i32
    "tpu.region"() ({
      %run_scoped3A = tpu.sem_alloc : memref<!tpu.dma_semaphore, #tpu.memory_space<semaphore_mem>>
      %dma_start3A_31 = tpu.memref_slice %arg3[%add3A_18] : memref<4096xi32, #tpu.memory_space<hbm>> -> memref<64xi32, #tpu.memory_space<hbm>>
      %dma_start3A_32 = tpu.memref_slice %arg3[%add3A_18] : memref<4096xi32, #tpu.memory_space<hbm>> -> memref<64xi32, #tpu.memory_space<hbm>>
      tpu.enqueue_dma source(%dma_start3A_32 : memref<64xi32, #tpu.memory_space<hbm>>) target(%arg7 : memref<64xi32, #tpu.memory_space<vmem>>) target_semaphore(%run_scoped3A : memref<!tpu.dma_semaphore, #tpu.memory_space<semaphore_mem>>)
      %dma_wait3A_33 = tpu.memref_slice %arg3[%add3A_18] : memref<4096xi32, #tpu.memory_space<hbm>> -> memref<64xi32, #tpu.memory_space<hbm>>
      %dma_wait3A_34 = tpu.memref_slice %arg3[%add3A_18] : memref<4096xi32, #tpu.memory_space<hbm>> -> memref<64xi32, #tpu.memory_space<hbm>>
      tpu.wait_dma2 semaphore(%run_scoped3A : memref<!tpu.dma_semaphore, #tpu.memory_space<semaphore_mem>>) src(%dma_wait3A_34 : memref<64xi32, #tpu.memory_space<hbm>>) dst(%arg7 : memref<64xi32, #tpu.memory_space<vmem>>)
      tpu.yield
    }) : () -> ()
    %dma_start3A_19 = arith.constant 0 : i32
    %dma_start3A_20 = arith.constant 0 : i32
    %dma_start3A_21 = tpu.memref_slice %arg2[%dma_start3A_19, %dma_start3A_20] : memref<10240x1024xf32, #tpu.memory_space<hbm>> -> memref<10240x1024xf32, #tpu.memory_space<hbm>>
    tpu.enqueue_indirect_dma source(%dma_start3A_21 : memref<10240x1024xf32, #tpu.memory_space<hbm>>) target(%arg8 : memref<64x1024xf32, #tpu.memory_space<vmem>>) offsets(%arg7 : memref<64xi32, #tpu.memory_space<vmem>>) semaphore(%arg9 : memref<!tpu.dma_semaphore, #tpu.memory_space<semaphore_mem>>)
    %dma_wait3A_22 = arith.constant 0 : i32
    %dma_wait3A_23 = arith.constant 0 : i32
    %dma_wait3A_24 = tpu.memref_slice %arg2[%dma_wait3A_22, %dma_wait3A_23] : memref<10240x1024xf32, #tpu.memory_space<hbm>> -> memref<10240x1024xf32, #tpu.memory_space<hbm>>
    tpu.wait_indirect_dma semaphore(%arg9 : memref<!tpu.dma_semaphore, #tpu.memory_space<semaphore_mem>>) src(%dma_wait3A_24 : memref<10240x1024xf32, #tpu.memory_space<hbm>>) dst(%arg8 : memref<64x1024xf32, #tpu.memory_space<vmem>>)
    "tpu.region"() ({
      %run_scoped3A = tpu.sem_alloc : memref<!tpu.dma_semaphore, #tpu.memory_space<semaphore_mem>>
      %dma_start3A_31 = arith.constant 0 : i32
      %dma_start3A_32 = tpu.memref_slice %arg5[%add3A_18, %dma_start3A_31] : memref<4096x1024xf32, #tpu.memory_space<hbm>> -> memref<64x1024xf32, #tpu.memory_space<hbm>>
      %dma_start3A_33 = arith.constant 0 : i32
      %dma_start3A_34 = tpu.memref_slice %arg5[%add3A_18, %dma_start3A_33] : memref<4096x1024xf32, #tpu.memory_space<hbm>> -> memref<64x1024xf32, #tpu.memory_space<hbm>>
      tpu.enqueue_dma source(%arg8 : memref<64x1024xf32, #tpu.memory_space<vmem>>) target(%dma_start3A_34 : memref<64x1024xf32, #tpu.memory_space<hbm>>) target_semaphore(%run_scoped3A : memref<!tpu.dma_semaphore, #tpu.memory_space<semaphore_mem>>)
      %dma_wait3A_35 = arith.constant 0 : i32
      %dma_wait3A_36 = tpu.memref_slice %arg5[%add3A_18, %dma_wait3A_35] : memref<4096x1024xf32, #tpu.memory_space<hbm>> -> memref<64x1024xf32, #tpu.memory_space<hbm>>
      %dma_wait3A_37 = arith.constant 0 : i32
      %dma_wait3A_38 = tpu.memref_slice %arg5[%add3A_18, %dma_wait3A_37] : memref<4096x1024xf32, #tpu.memory_space<hbm>> -> memref<64x1024xf32, #tpu.memory_space<hbm>>
      tpu.wait_dma2 semaphore(%run_scoped3A : memref<!tpu.dma_semaphore, #tpu.memory_space<semaphore_mem>>) src(%arg8 : memref<64x1024xf32, #tpu.memory_space<vmem>>) dst(%dma_wait3A_38 : memref<64x1024xf32, #tpu.memory_space<hbm>>)
      tpu.yield
    }) : () -> ()
    "tpu.region"() ({
      %run_scoped3A = tpu.sem_alloc : memref<!tpu.dma_semaphore, #tpu.memory_space<semaphore_mem>>
      %dma_start3A_31 = tpu.memref_slice %arg4[%add3A_18] : memref<4096xi32, #tpu.memory_space<hbm>> -> memref<64xi32, #tpu.memory_space<hbm>>
      %dma_start3A_32 = tpu.memref_slice %arg4[%add3A_18] : memref<4096xi32, #tpu.memory_space<hbm>> -> memref<64xi32, #tpu.memory_space<hbm>>
      tpu.enqueue_dma source(%dma_start3A_32 : memref<64xi32, #tpu.memory_space<hbm>>) target(%arg7 : memref<64xi32, #tpu.memory_space<vmem>>) target_semaphore(%run_scoped3A : memref<!tpu.dma_semaphore, #tpu.memory_space<semaphore_mem>>)
      %dma_wait3A_33 = tpu.memref_slice %arg4[%add3A_18] : memref<4096xi32, #tpu.memory_space<hbm>> -> memref<64xi32, #tpu.memory_space<hbm>>
      %dma_wait3A_34 = tpu.memref_slice %arg4[%add3A_18] : memref<4096xi32, #tpu.memory_space<hbm>> -> memref<64xi32, #tpu.memory_space<hbm>>
      tpu.wait_dma2 semaphore(%run_scoped3A : memref<!tpu.dma_semaphore, #tpu.memory_space<semaphore_mem>>) src(%dma_wait3A_34 : memref<64xi32, #tpu.memory_space<hbm>>) dst(%arg7 : memref<64xi32, #tpu.memory_space<vmem>>)
      tpu.yield
    }) : () -> ()
    %dma_start3A_25 = arith.constant 0 : i32
    %dma_start3A_26 = arith.constant 0 : i32
    %dma_start3A_27 = tpu.memref_slice %arg2[%dma_start3A_25, %dma_start3A_26] : memref<10240x1024xf32, #tpu.memory_space<hbm>> -> memref<10240x1024xf32, #tpu.memory_space<hbm>>
    tpu.enqueue_indirect_dma source(%dma_start3A_27 : memref<10240x1024xf32, #tpu.memory_space<hbm>>) target(%arg8 : memref<64x1024xf32, #tpu.memory_space<vmem>>) offsets(%arg7 : memref<64xi32, #tpu.memory_space<vmem>>) semaphore(%arg9 : memref<!tpu.dma_semaphore, #tpu.memory_space<semaphore_mem>>)
    %dma_wait3A_28 = arith.constant 0 : i32
    %dma_wait3A_29 = arith.constant 0 : i32
    %dma_wait3A_30 = tpu.memref_slice %arg2[%dma_wait3A_28, %dma_wait3A_29] : memref<10240x1024xf32, #tpu.memory_space<hbm>> -> memref<10240x1024xf32, #tpu.memory_space<hbm>>
    tpu.wait_indirect_dma semaphore(%arg9 : memref<!tpu.dma_semaphore, #tpu.memory_space<semaphore_mem>>) src(%dma_wait3A_30 : memref<10240x1024xf32, #tpu.memory_space<hbm>>) dst(%arg8 : memref<64x1024xf32, #tpu.memory_space<vmem>>)
    "tpu.region"() ({
      %run_scoped3A = tpu.sem_alloc : memref<!tpu.dma_semaphore, #tpu.memory_space<semaphore_mem>>
      %dma_start3A_31 = arith.constant 0 : i32
      %dma_start3A_32 = tpu.memref_slice %arg6[%add3A_18, %dma_start3A_31] : memref<4096x1024xf32, #tpu.memory_space<hbm>> -> memref<64x1024xf32, #tpu.memory_space<hbm>>
      %dma_start3A_33 = arith.constant 0 : i32
      %dma_start3A_34 = tpu.memref_slice %arg6[%add3A_18, %dma_start3A_33] : memref<4096x1024xf32, #tpu.memory_space<hbm>> -> memref<64x1024xf32, #tpu.memory_space<hbm>>
      tpu.enqueue_dma source(%arg8 : memref<64x1024xf32, #tpu.memory_space<vmem>>) target(%dma_start3A_34 : memref<64x1024xf32, #tpu.memory_space<hbm>>) target_semaphore(%run_scoped3A : memref<!tpu.dma_semaphore, #tpu.memory_space<semaphore_mem>>)
      %dma_wait3A_35 = arith.constant 0 : i32
      %dma_wait3A_36 = tpu.memref_slice %arg6[%add3A_18, %dma_wait3A_35] : memref<4096x1024xf32, #tpu.memory_space<hbm>> -> memref<64x1024xf32, #tpu.memory_space<hbm>>
      %dma_wait3A_37 = arith.constant 0 : i32
      %dma_wait3A_38 = tpu.memref_slice %arg6[%add3A_18, %dma_wait3A_37] : memref<4096x1024xf32, #tpu.memory_space<hbm>> -> memref<64x1024xf32, #tpu.memory_space<hbm>>
      tpu.wait_dma2 semaphore(%run_scoped3A : memref<!tpu.dma_semaphore, #tpu.memory_space<semaphore_mem>>) src(%arg8 : memref<64x1024xf32, #tpu.memory_space<vmem>>) dst(%dma_wait3A_38 : memref<64x1024xf32, #tpu.memory_space<hbm>>)
      tpu.yield
    }) : () -> ()
    return
  }
}

#map = affine_map<(d0, d1) -> (0, 0)>
#map1 = affine_map<(d0, d1) -> (0)>
module attributes {stable_mosaic.version = 14 : i64} {
  func.func @k(%arg0: i32, %arg1: i32, %arg2: memref<4096x1024xf32, #tpu.memory_space<hbm>>, %arg3: memref<4096xi32, #tpu.memory_space<hbm>>, %arg4: memref<4096xi32, #tpu.memory_space<hbm>>, %arg5: memref<10240x1024xf32, #tpu.memory_space<hbm>>, %arg6: memref<64xi32, #tpu.memory_space<vmem>>, %arg7: memref<64xi32, #tpu.memory_space<vmem>>, %arg8: memref<64x1024xf32, #tpu.memory_space<vmem>>, %arg9: memref<!tpu.dma_semaphore, #tpu.memory_space<semaphore_mem>>) attributes {dimension_semantics = [#tpu.dimension_semantics<core_parallel>, #tpu.dimension_semantics<subcore_parallel>], iteration_bounds = array<i64: 2, 16>, scalar_prefetch = 0 : i64, scratch_operands = 4 : i64, tpu.core_type = #tpu.core_type<sc_vector_subcore>, window_params = [{transform_indices = #map}, {transform_indices = #map1}, {transform_indices = #map1}, {transform_indices = #map}]} {
    %mul3A = arith.constant 2 : i32
    %mul3A_0 = arith.muli %arg1, %mul3A : i32
    %add3A = arith.addi %mul3A_0, %arg0 : i32
    %mul3A_1 = arith.constant 128 : i32
    %mul3A_2 = arith.muli %add3A, %mul3A_1 : i32
    %add3A_3 = arith.constant 0 : i32
    %add3A_4 = arith.addi %mul3A_2, %add3A_3 : i32
    "tpu.region"() ({
      %run_scoped3A = tpu.sem_alloc : memref<!tpu.dma_semaphore, #tpu.memory_space<semaphore_mem>>
      %dma_start3A_31 = tpu.memref_slice %arg3[%add3A_4] : memref<4096xi32, #tpu.memory_space<hbm>> -> memref<64xi32, #tpu.memory_space<hbm>>
      %dma_start3A_32 = tpu.memref_slice %arg3[%add3A_4] : memref<4096xi32, #tpu.memory_space<hbm>> -> memref<64xi32, #tpu.memory_space<hbm>>
      tpu.enqueue_dma source(%dma_start3A_32 : memref<64xi32, #tpu.memory_space<hbm>>) target(%arg6 : memref<64xi32, #tpu.memory_space<vmem>>) target_semaphore(%run_scoped3A : memref<!tpu.dma_semaphore, #tpu.memory_space<semaphore_mem>>)
      %dma_wait3A_33 = tpu.memref_slice %arg3[%add3A_4] : memref<4096xi32, #tpu.memory_space<hbm>> -> memref<64xi32, #tpu.memory_space<hbm>>
      %dma_wait3A_34 = tpu.memref_slice %arg3[%add3A_4] : memref<4096xi32, #tpu.memory_space<hbm>> -> memref<64xi32, #tpu.memory_space<hbm>>
      tpu.wait_dma2 semaphore(%run_scoped3A : memref<!tpu.dma_semaphore, #tpu.memory_space<semaphore_mem>>) src(%dma_wait3A_34 : memref<64xi32, #tpu.memory_space<hbm>>) dst(%arg6 : memref<64xi32, #tpu.memory_space<vmem>>)
      tpu.yield
    }) : () -> ()
    "tpu.region"() ({
      %run_scoped3A = tpu.sem_alloc : memref<!tpu.dma_semaphore, #tpu.memory_space<semaphore_mem>>
      %dma_start3A_31 = tpu.memref_slice %arg4[%add3A_4] : memref<4096xi32, #tpu.memory_space<hbm>> -> memref<64xi32, #tpu.memory_space<hbm>>
      %dma_start3A_32 = tpu.memref_slice %arg4[%add3A_4] : memref<4096xi32, #tpu.memory_space<hbm>> -> memref<64xi32, #tpu.memory_space<hbm>>
      tpu.enqueue_dma source(%dma_start3A_32 : memref<64xi32, #tpu.memory_space<hbm>>) target(%arg7 : memref<64xi32, #tpu.memory_space<vmem>>) target_semaphore(%run_scoped3A : memref<!tpu.dma_semaphore, #tpu.memory_space<semaphore_mem>>)
      %dma_wait3A_33 = tpu.memref_slice %arg4[%add3A_4] : memref<4096xi32, #tpu.memory_space<hbm>> -> memref<64xi32, #tpu.memory_space<hbm>>
      %dma_wait3A_34 = tpu.memref_slice %arg4[%add3A_4] : memref<4096xi32, #tpu.memory_space<hbm>> -> memref<64xi32, #tpu.memory_space<hbm>>
      tpu.wait_dma2 semaphore(%run_scoped3A : memref<!tpu.dma_semaphore, #tpu.memory_space<semaphore_mem>>) src(%dma_wait3A_34 : memref<64xi32, #tpu.memory_space<hbm>>) dst(%arg7 : memref<64xi32, #tpu.memory_space<vmem>>)
      tpu.yield
    }) : () -> ()
    "tpu.region"() ({
      %run_scoped3A = tpu.sem_alloc : memref<!tpu.dma_semaphore, #tpu.memory_space<semaphore_mem>>
      %dma_start3A_31 = arith.constant 0 : i32
      %dma_start3A_32 = tpu.memref_slice %arg2[%add3A_4, %dma_start3A_31] : memref<4096x1024xf32, #tpu.memory_space<hbm>> -> memref<64x1024xf32, #tpu.memory_space<hbm>>
      %dma_start3A_33 = arith.constant 0 : i32
      %dma_start3A_34 = tpu.memref_slice %arg2[%add3A_4, %dma_start3A_33] : memref<4096x1024xf32, #tpu.memory_space<hbm>> -> memref<64x1024xf32, #tpu.memory_space<hbm>>
      tpu.enqueue_dma source(%dma_start3A_34 : memref<64x1024xf32, #tpu.memory_space<hbm>>) target(%arg8 : memref<64x1024xf32, #tpu.memory_space<vmem>>) target_semaphore(%run_scoped3A : memref<!tpu.dma_semaphore, #tpu.memory_space<semaphore_mem>>)
      %dma_wait3A_35 = arith.constant 0 : i32
      %dma_wait3A_36 = tpu.memref_slice %arg2[%add3A_4, %dma_wait3A_35] : memref<4096x1024xf32, #tpu.memory_space<hbm>> -> memref<64x1024xf32, #tpu.memory_space<hbm>>
      %dma_wait3A_37 = arith.constant 0 : i32
      %dma_wait3A_38 = tpu.memref_slice %arg2[%add3A_4, %dma_wait3A_37] : memref<4096x1024xf32, #tpu.memory_space<hbm>> -> memref<64x1024xf32, #tpu.memory_space<hbm>>
      tpu.wait_dma2 semaphore(%run_scoped3A : memref<!tpu.dma_semaphore, #tpu.memory_space<semaphore_mem>>) src(%dma_wait3A_38 : memref<64x1024xf32, #tpu.memory_space<hbm>>) dst(%arg8 : memref<64x1024xf32, #tpu.memory_space<vmem>>)
      tpu.yield
    }) : () -> ()
    %dma_start3A = arith.constant 0 : i32
    %dma_start3A_5 = arith.constant 0 : i32
    %dma_start3A_6 = tpu.memref_slice %arg5[%dma_start3A, %dma_start3A_5] : memref<10240x1024xf32, #tpu.memory_space<hbm>> -> memref<10240x1024xf32, #tpu.memory_space<hbm>>
    tpu.enqueue_indirect_dma source(%arg8 : memref<64x1024xf32, #tpu.memory_space<vmem>>) target(%dma_start3A_6 : memref<10240x1024xf32, #tpu.memory_space<hbm>>) offsets(%arg6 : memref<64xi32, #tpu.memory_space<vmem>>) semaphore(%arg9 : memref<!tpu.dma_semaphore, #tpu.memory_space<semaphore_mem>>)
    %dma_start3A_7 = arith.constant 0 : i32
    %dma_start3A_8 = arith.constant 0 : i32
    %dma_start3A_9 = tpu.memref_slice %arg5[%dma_start3A_7, %dma_start3A_8] : memref<10240x1024xf32, #tpu.memory_space<hbm>> -> memref<10240x1024xf32, #tpu.memory_space<hbm>>
    tpu.enqueue_indirect_dma source(%arg8 : memref<64x1024xf32, #tpu.memory_space<vmem>>) target(%dma_start3A_9 : memref<10240x1024xf32, #tpu.memory_space<hbm>>) offsets(%arg7 : memref<64xi32, #tpu.memory_space<vmem>>) semaphore(%arg9 : memref<!tpu.dma_semaphore, #tpu.memory_space<semaphore_mem>>)
    %dma_wait3A = arith.constant 0 : i32
    %dma_wait3A_10 = arith.constant 0 : i32
    %dma_wait3A_11 = tpu.memref_slice %arg5[%dma_wait3A, %dma_wait3A_10] : memref<10240x1024xf32, #tpu.memory_space<hbm>> -> memref<10240x1024xf32, #tpu.memory_space<hbm>>
    tpu.wait_indirect_dma semaphore(%arg9 : memref<!tpu.dma_semaphore, #tpu.memory_space<semaphore_mem>>) src(%arg8 : memref<64x1024xf32, #tpu.memory_space<vmem>>) dst(%dma_wait3A_11 : memref<10240x1024xf32, #tpu.memory_space<hbm>>)
    %dma_wait3A_12 = arith.constant 0 : i32
    %dma_wait3A_13 = arith.constant 0 : i32
    %dma_wait3A_14 = tpu.memref_slice %arg5[%dma_wait3A_12, %dma_wait3A_13] : memref<10240x1024xf32, #tpu.memory_space<hbm>> -> memref<10240x1024xf32, #tpu.memory_space<hbm>>
    tpu.wait_indirect_dma semaphore(%arg9 : memref<!tpu.dma_semaphore, #tpu.memory_space<semaphore_mem>>) src(%arg8 : memref<64x1024xf32, #tpu.memory_space<vmem>>) dst(%dma_wait3A_14 : memref<10240x1024xf32, #tpu.memory_space<hbm>>)
    %mul3A_15 = arith.constant 128 : i32
    %mul3A_16 = arith.muli %add3A, %mul3A_15 : i32
    %add3A_17 = arith.constant 64 : i32
    %add3A_18 = arith.addi %mul3A_16, %add3A_17 : i32
    "tpu.region"() ({
      %run_scoped3A = tpu.sem_alloc : memref<!tpu.dma_semaphore, #tpu.memory_space<semaphore_mem>>
      %dma_start3A_31 = tpu.memref_slice %arg3[%add3A_18] : memref<4096xi32, #tpu.memory_space<hbm>> -> memref<64xi32, #tpu.memory_space<hbm>>
      %dma_start3A_32 = tpu.memref_slice %arg3[%add3A_18] : memref<4096xi32, #tpu.memory_space<hbm>> -> memref<64xi32, #tpu.memory_space<hbm>>
      tpu.enqueue_dma source(%dma_start3A_32 : memref<64xi32, #tpu.memory_space<hbm>>) target(%arg6 : memref<64xi32, #tpu.memory_space<vmem>>) target_semaphore(%run_scoped3A : memref<!tpu.dma_semaphore, #tpu.memory_space<semaphore_mem>>)
      %dma_wait3A_33 = tpu.memref_slice %arg3[%add3A_18] : memref<4096xi32, #tpu.memory_space<hbm>> -> memref<64xi32, #tpu.memory_space<hbm>>
      %dma_wait3A_34 = tpu.memref_slice %arg3[%add3A_18] : memref<4096xi32, #tpu.memory_space<hbm>> -> memref<64xi32, #tpu.memory_space<hbm>>
      tpu.wait_dma2 semaphore(%run_scoped3A : memref<!tpu.dma_semaphore, #tpu.memory_space<semaphore_mem>>) src(%dma_wait3A_34 : memref<64xi32, #tpu.memory_space<hbm>>) dst(%arg6 : memref<64xi32, #tpu.memory_space<vmem>>)
      tpu.yield
    }) : () -> ()
    "tpu.region"() ({
      %run_scoped3A = tpu.sem_alloc : memref<!tpu.dma_semaphore, #tpu.memory_space<semaphore_mem>>
      %dma_start3A_31 = tpu.memref_slice %arg4[%add3A_18] : memref<4096xi32, #tpu.memory_space<hbm>> -> memref<64xi32, #tpu.memory_space<hbm>>
      %dma_start3A_32 = tpu.memref_slice %arg4[%add3A_18] : memref<4096xi32, #tpu.memory_space<hbm>> -> memref<64xi32, #tpu.memory_space<hbm>>
      tpu.enqueue_dma source(%dma_start3A_32 : memref<64xi32, #tpu.memory_space<hbm>>) target(%arg7 : memref<64xi32, #tpu.memory_space<vmem>>) target_semaphore(%run_scoped3A : memref<!tpu.dma_semaphore, #tpu.memory_space<semaphore_mem>>)
      %dma_wait3A_33 = tpu.memref_slice %arg4[%add3A_18] : memref<4096xi32, #tpu.memory_space<hbm>> -> memref<64xi32, #tpu.memory_space<hbm>>
      %dma_wait3A_34 = tpu.memref_slice %arg4[%add3A_18] : memref<4096xi32, #tpu.memory_space<hbm>> -> memref<64xi32, #tpu.memory_space<hbm>>
      tpu.wait_dma2 semaphore(%run_scoped3A : memref<!tpu.dma_semaphore, #tpu.memory_space<semaphore_mem>>) src(%dma_wait3A_34 : memref<64xi32, #tpu.memory_space<hbm>>) dst(%arg7 : memref<64xi32, #tpu.memory_space<vmem>>)
      tpu.yield
    }) : () -> ()
    "tpu.region"() ({
      %run_scoped3A = tpu.sem_alloc : memref<!tpu.dma_semaphore, #tpu.memory_space<semaphore_mem>>
      %dma_start3A_31 = arith.constant 0 : i32
      %dma_start3A_32 = tpu.memref_slice %arg2[%add3A_18, %dma_start3A_31] : memref<4096x1024xf32, #tpu.memory_space<hbm>> -> memref<64x1024xf32, #tpu.memory_space<hbm>>
      %dma_start3A_33 = arith.constant 0 : i32
      %dma_start3A_34 = tpu.memref_slice %arg2[%add3A_18, %dma_start3A_33] : memref<4096x1024xf32, #tpu.memory_space<hbm>> -> memref<64x1024xf32, #tpu.memory_space<hbm>>
      tpu.enqueue_dma source(%dma_start3A_34 : memref<64x1024xf32, #tpu.memory_space<hbm>>) target(%arg8 : memref<64x1024xf32, #tpu.memory_space<vmem>>) target_semaphore(%run_scoped3A : memref<!tpu.dma_semaphore, #tpu.memory_space<semaphore_mem>>)
      %dma_wait3A_35 = arith.constant 0 : i32
      %dma_wait3A_36 = tpu.memref_slice %arg2[%add3A_18, %dma_wait3A_35] : memref<4096x1024xf32, #tpu.memory_space<hbm>> -> memref<64x1024xf32, #tpu.memory_space<hbm>>
      %dma_wait3A_37 = arith.constant 0 : i32
      %dma_wait3A_38 = tpu.memref_slice %arg2[%add3A_18, %dma_wait3A_37] : memref<4096x1024xf32, #tpu.memory_space<hbm>> -> memref<64x1024xf32, #tpu.memory_space<hbm>>
      tpu.wait_dma2 semaphore(%run_scoped3A : memref<!tpu.dma_semaphore, #tpu.memory_space<semaphore_mem>>) src(%dma_wait3A_38 : memref<64x1024xf32, #tpu.memory_space<hbm>>) dst(%arg8 : memref<64x1024xf32, #tpu.memory_space<vmem>>)
      tpu.yield
    }) : () -> ()
    %dma_start3A_19 = arith.constant 0 : i32
    %dma_start3A_20 = arith.constant 0 : i32
    %dma_start3A_21 = tpu.memref_slice %arg5[%dma_start3A_19, %dma_start3A_20] : memref<10240x1024xf32, #tpu.memory_space<hbm>> -> memref<10240x1024xf32, #tpu.memory_space<hbm>>
    tpu.enqueue_indirect_dma source(%arg8 : memref<64x1024xf32, #tpu.memory_space<vmem>>) target(%dma_start3A_21 : memref<10240x1024xf32, #tpu.memory_space<hbm>>) offsets(%arg6 : memref<64xi32, #tpu.memory_space<vmem>>) semaphore(%arg9 : memref<!tpu.dma_semaphore, #tpu.memory_space<semaphore_mem>>)
    %dma_start3A_22 = arith.constant 0 : i32
    %dma_start3A_23 = arith.constant 0 : i32
    %dma_start3A_24 = tpu.memref_slice %arg5[%dma_start3A_22, %dma_start3A_23] : memref<10240x1024xf32, #tpu.memory_space<hbm>> -> memref<10240x1024xf32, #tpu.memory_space<hbm>>
    tpu.enqueue_indirect_dma source(%arg8 : memref<64x1024xf32, #tpu.memory_space<vmem>>) target(%dma_start3A_24 : memref<10240x1024xf32, #tpu.memory_space<hbm>>) offsets(%arg7 : memref<64xi32, #tpu.memory_space<vmem>>) semaphore(%arg9 : memref<!tpu.dma_semaphore, #tpu.memory_space<semaphore_mem>>)
    %dma_wait3A_25 = arith.constant 0 : i32
    %dma_wait3A_26 = arith.constant 0 : i32
    %dma_wait3A_27 = tpu.memref_slice %arg5[%dma_wait3A_25, %dma_wait3A_26] : memref<10240x1024xf32, #tpu.memory_space<hbm>> -> memref<10240x1024xf32, #tpu.memory_space<hbm>>
    tpu.wait_indirect_dma semaphore(%arg9 : memref<!tpu.dma_semaphore, #tpu.memory_space<semaphore_mem>>) src(%arg8 : memref<64x1024xf32, #tpu.memory_space<vmem>>) dst(%dma_wait3A_27 : memref<10240x1024xf32, #tpu.memory_space<hbm>>)
    %dma_wait3A_28 = arith.constant 0 : i32
    %dma_wait3A_29 = arith.constant 0 : i32
    %dma_wait3A_30 = tpu.memref_slice %arg5[%dma_wait3A_28, %dma_wait3A_29] : memref<10240x1024xf32, #tpu.memory_space<hbm>> -> memref<10240x1024xf32, #tpu.memory_space<hbm>>
    tpu.wait_indirect_dma semaphore(%arg9 : memref<!tpu.dma_semaphore, #tpu.memory_space<semaphore_mem>>) src(%arg8 : memref<64x1024xf32, #tpu.memory_space<vmem>>) dst(%dma_wait3A_30 : memref<10240x1024xf32, #tpu.memory_space<hbm>>)
    return
  }
}

module attributes {stable_mosaic.version = 14 : i64} {
  func.func @_a2_body(%arg0: i32, %arg1: memref<256x1xi32, #tpu.memory_space<vmem>>, %arg2: memref<256x1xi32, #tpu.memory_space<vmem>>, %arg3: memref<256x1xi32, #tpu.memory_space<vmem>>, %arg4: memref<256x1xi32, #tpu.memory_space<vmem>>, %arg5: memref<1x8xi32, #tpu.memory_space<vmem>>, %arg6: memref<256x1xi32, #tpu.memory_space<vmem>>, %arg7: memref<256x1xi32, #tpu.memory_space<vmem>>) attributes {dimension_semantics = [#tpu.dimension_semantics<arbitrary>], iteration_bounds = array<i64: 16>, scalar_prefetch = 0 : i64, scratch_operands = 0 : i64, tpu.core_type = #tpu.core_type<tc>, window_params = [{transform_indices = @transform_0, window_bounds = array<i64: 256, 1>}, {transform_indices = @transform_1, window_bounds = array<i64: 256, 1>}, {transform_indices = @transform_2, window_bounds = array<i64: 256, 1>}, {transform_indices = @transform_3, window_bounds = array<i64: 256, 1>}, {pipeline_mode = #tpu.pipeline_mode<synchronous>, transform_indices = @transform_4, window_bounds = array<i64: 1, 8>}, {transform_indices = @transform_5, window_bounds = array<i64: 256, 1>}, {transform_indices = @transform_6, window_bounds = array<i64: 256, 1>}]} {
    %get3A = arith.constant 0 : index
    %get3A_0 = arith.constant 0 : index
    %get3A_1 = vector.load %arg5[%get3A, %get3A_0] : memref<1x8xi32, #tpu.memory_space<vmem>>, vector<1x8xi32>
    %convert_element_type3A = arith.sitofp %get3A_1 : vector<1x8xi32> to vector<1x8xf32>
    %get3A_2 = arith.constant 0 : index
    %get3A_3 = arith.constant 0 : index
    %get3A_4 = vector.load %arg1[%get3A_2, %get3A_3] : memref<256x1xi32, #tpu.memory_space<vmem>>, vector<256x1xi32>
    %convert_element_type3A_5 = arith.sitofp %get3A_4 : vector<256x1xi32> to vector<256x1xf32>
    %get3A_6 = arith.constant 0 : index
    %get3A_7 = arith.constant 0 : index
    %get3A_8 = vector.load %arg3[%get3A_6, %get3A_7] : memref<256x1xi32, #tpu.memory_space<vmem>>, vector<256x1xi32>
    %slice3A = vector.extract_strided_slice %convert_element_type3A {offsets = [0, 0], sizes = [1, 1], strides = [1, 1]} : vector<1x8xf32> to vector<1x1xf32>
    %eq3A = arith.constant 0 : i32
    %eq3A_9 = vector.broadcast %eq3A : i32 to vector<256x1xi32>
    %eq3A_10 = arith.cmpi eq, %get3A_8, %eq3A_9 : vector<256x1xi32>
    %jit3A = arith.constant 0.000000e+00 : f32
    %broadcast_in_dim3A = vector.shape_cast %slice3A : vector<1x1xf32> to vector<1x1xf32>
    %broadcast_in_dim3A_11 = vector.broadcast %broadcast_in_dim3A : vector<1x1xf32> to vector<256x1xf32>
    %broadcast_in_dim3A_12 = vector.broadcast %jit3A : f32 to vector<256x1xf32>
    %select_n3A = arith.select %eq3A_10, %broadcast_in_dim3A_11, %broadcast_in_dim3A_12 : vector<256x1xi1>, vector<256x1xf32>
    %add3A = arith.addf %convert_element_type3A_5, %select_n3A : vector<256x1xf32>
    %slice3A_13 = vector.extract_strided_slice %convert_element_type3A {offsets = [0, 1], sizes = [1, 1], strides = [1, 1]} : vector<1x8xf32> to vector<1x1xf32>
    %eq3A_14 = arith.constant 1 : i32
    %eq3A_15 = vector.broadcast %eq3A_14 : i32 to vector<256x1xi32>
    %eq3A_16 = arith.cmpi eq, %get3A_8, %eq3A_15 : vector<256x1xi32>
    %jit3A_17 = arith.constant 0.000000e+00 : f32
    %broadcast_in_dim3A_18 = vector.shape_cast %slice3A_13 : vector<1x1xf32> to vector<1x1xf32>
    %broadcast_in_dim3A_19 = vector.broadcast %broadcast_in_dim3A_18 : vector<1x1xf32> to vector<256x1xf32>
    %broadcast_in_dim3A_20 = vector.broadcast %jit3A_17 : f32 to vector<256x1xf32>
    %select_n3A_21 = arith.select %eq3A_16, %broadcast_in_dim3A_19, %broadcast_in_dim3A_20 : vector<256x1xi1>, vector<256x1xf32>
    %add3A_22 = arith.addf %add3A, %select_n3A_21 : vector<256x1xf32>
    %slice3A_23 = vector.extract_strided_slice %convert_element_type3A {offsets = [0, 2], sizes = [1, 1], strides = [1, 1]} : vector<1x8xf32> to vector<1x1xf32>
    %eq3A_24 = arith.constant 2 : i32
    %eq3A_25 = vector.broadcast %eq3A_24 : i32 to vector<256x1xi32>
    %eq3A_26 = arith.cmpi eq, %get3A_8, %eq3A_25 : vector<256x1xi32>
    %jit3A_27 = arith.constant 0.000000e+00 : f32
    %broadcast_in_dim3A_28 = vector.shape_cast %slice3A_23 : vector<1x1xf32> to vector<1x1xf32>
    %broadcast_in_dim3A_29 = vector.broadcast %broadcast_in_dim3A_28 : vector<1x1xf32> to vector<256x1xf32>
    %broadcast_in_dim3A_30 = vector.broadcast %jit3A_27 : f32 to vector<256x1xf32>
    %select_n3A_31 = arith.select %eq3A_26, %broadcast_in_dim3A_29, %broadcast_in_dim3A_30 : vector<256x1xi1>, vector<256x1xf32>
    %add3A_32 = arith.addf %add3A_22, %select_n3A_31 : vector<256x1xf32>
    %slice3A_33 = vector.extract_strided_slice %convert_element_type3A {offsets = [0, 3], sizes = [1, 1], strides = [1, 1]} : vector<1x8xf32> to vector<1x1xf32>
    %eq3A_34 = arith.constant 3 : i32
    %eq3A_35 = vector.broadcast %eq3A_34 : i32 to vector<256x1xi32>
    %eq3A_36 = arith.cmpi eq, %get3A_8, %eq3A_35 : vector<256x1xi32>
    %jit3A_37 = arith.constant 0.000000e+00 : f32
    %broadcast_in_dim3A_38 = vector.shape_cast %slice3A_33 : vector<1x1xf32> to vector<1x1xf32>
    %broadcast_in_dim3A_39 = vector.broadcast %broadcast_in_dim3A_38 : vector<1x1xf32> to vector<256x1xf32>
    %broadcast_in_dim3A_40 = vector.broadcast %jit3A_37 : f32 to vector<256x1xf32>
    %select_n3A_41 = arith.select %eq3A_36, %broadcast_in_dim3A_39, %broadcast_in_dim3A_40 : vector<256x1xi1>, vector<256x1xf32>
    %add3A_42 = arith.addf %add3A_32, %select_n3A_41 : vector<256x1xf32>
    %slice3A_43 = vector.extract_strided_slice %convert_element_type3A {offsets = [0, 4], sizes = [1, 1], strides = [1, 1]} : vector<1x8xf32> to vector<1x1xf32>
    %eq3A_44 = arith.constant 4 : i32
    %eq3A_45 = vector.broadcast %eq3A_44 : i32 to vector<256x1xi32>
    %eq3A_46 = arith.cmpi eq, %get3A_8, %eq3A_45 : vector<256x1xi32>
    %jit3A_47 = arith.constant 0.000000e+00 : f32
    %broadcast_in_dim3A_48 = vector.shape_cast %slice3A_43 : vector<1x1xf32> to vector<1x1xf32>
    %broadcast_in_dim3A_49 = vector.broadcast %broadcast_in_dim3A_48 : vector<1x1xf32> to vector<256x1xf32>
    %broadcast_in_dim3A_50 = vector.broadcast %jit3A_47 : f32 to vector<256x1xf32>
    %select_n3A_51 = arith.select %eq3A_46, %broadcast_in_dim3A_49, %broadcast_in_dim3A_50 : vector<256x1xi1>, vector<256x1xf32>
    %add3A_52 = arith.addf %add3A_42, %select_n3A_51 : vector<256x1xf32>
    %slice3A_53 = vector.extract_strided_slice %convert_element_type3A {offsets = [0, 5], sizes = [1, 1], strides = [1, 1]} : vector<1x8xf32> to vector<1x1xf32>
    %eq3A_54 = arith.constant 5 : i32
    %eq3A_55 = vector.broadcast %eq3A_54 : i32 to vector<256x1xi32>
    %eq3A_56 = arith.cmpi eq, %get3A_8, %eq3A_55 : vector<256x1xi32>
    %jit3A_57 = arith.constant 0.000000e+00 : f32
    %broadcast_in_dim3A_58 = vector.shape_cast %slice3A_53 : vector<1x1xf32> to vector<1x1xf32>
    %broadcast_in_dim3A_59 = vector.broadcast %broadcast_in_dim3A_58 : vector<1x1xf32> to vector<256x1xf32>
    %broadcast_in_dim3A_60 = vector.broadcast %jit3A_57 : f32 to vector<256x1xf32>
    %select_n3A_61 = arith.select %eq3A_56, %broadcast_in_dim3A_59, %broadcast_in_dim3A_60 : vector<256x1xi1>, vector<256x1xf32>
    %add3A_62 = arith.addf %add3A_52, %select_n3A_61 : vector<256x1xf32>
    %slice3A_63 = vector.extract_strided_slice %convert_element_type3A {offsets = [0, 6], sizes = [1, 1], strides = [1, 1]} : vector<1x8xf32> to vector<1x1xf32>
    %eq3A_64 = arith.constant 6 : i32
    %eq3A_65 = vector.broadcast %eq3A_64 : i32 to vector<256x1xi32>
    %eq3A_66 = arith.cmpi eq, %get3A_8, %eq3A_65 : vector<256x1xi32>
    %jit3A_67 = arith.constant 0.000000e+00 : f32
    %broadcast_in_dim3A_68 = vector.shape_cast %slice3A_63 : vector<1x1xf32> to vector<1x1xf32>
    %broadcast_in_dim3A_69 = vector.broadcast %broadcast_in_dim3A_68 : vector<1x1xf32> to vector<256x1xf32>
    %broadcast_in_dim3A_70 = vector.broadcast %jit3A_67 : f32 to vector<256x1xf32>
    %select_n3A_71 = arith.select %eq3A_66, %broadcast_in_dim3A_69, %broadcast_in_dim3A_70 : vector<256x1xi1>, vector<256x1xf32>
    %add3A_72 = arith.addf %add3A_62, %select_n3A_71 : vector<256x1xf32>
    %slice3A_73 = vector.extract_strided_slice %convert_element_type3A {offsets = [0, 7], sizes = [1, 1], strides = [1, 1]} : vector<1x8xf32> to vector<1x1xf32>
    %eq3A_74 = arith.constant 7 : i32
    %eq3A_75 = vector.broadcast %eq3A_74 : i32 to vector<256x1xi32>
    %eq3A_76 = arith.cmpi eq, %get3A_8, %eq3A_75 : vector<256x1xi32>
    %jit3A_77 = arith.constant 0.000000e+00 : f32
    %broadcast_in_dim3A_78 = vector.shape_cast %slice3A_73 : vector<1x1xf32> to vector<1x1xf32>
    %broadcast_in_dim3A_79 = vector.broadcast %broadcast_in_dim3A_78 : vector<1x1xf32> to vector<256x1xf32>
    %broadcast_in_dim3A_80 = vector.broadcast %jit3A_77 : f32 to vector<256x1xf32>
    %select_n3A_81 = arith.select %eq3A_76, %broadcast_in_dim3A_79, %broadcast_in_dim3A_80 : vector<256x1xi1>, vector<256x1xf32>
    %add3A_82 = arith.addf %add3A_72, %select_n3A_81 : vector<256x1xf32>
    %convert_element_type3A_83 = arith.fptosi %add3A_82 : vector<256x1xf32> to vector<256x1xi32>
    %swap3A = arith.constant 0 : index
    %swap3A_84 = arith.constant 0 : index
    %swap3A_85 = vector.load %arg6[%swap3A, %swap3A_84] : memref<256x1xi32, #tpu.memory_space<vmem>>, vector<256x1xi32>
    tpu.vector_store %arg6[%swap3A, %swap3A_84], %convert_element_type3A_83 {strides = array<i32>} : memref<256x1xi32, #tpu.memory_space<vmem>>, vector<256x1xi32>,
    %get3A_86 = arith.constant 0 : index
    %get3A_87 = arith.constant 0 : index
    %get3A_88 = vector.load %arg2[%get3A_86, %get3A_87] : memref<256x1xi32, #tpu.memory_space<vmem>>, vector<256x1xi32>
    %convert_element_type3A_89 = arith.sitofp %get3A_88 : vector<256x1xi32> to vector<256x1xf32>
    %get3A_90 = arith.constant 0 : index
    %get3A_91 = arith.constant 0 : index
    %get3A_92 = vector.load %arg4[%get3A_90, %get3A_91] : memref<256x1xi32, #tpu.memory_space<vmem>>, vector<256x1xi32>
    %slice3A_93 = vector.extract_strided_slice %convert_element_type3A {offsets = [0, 0], sizes = [1, 1], strides = [1, 1]} : vector<1x8xf32> to vector<1x1xf32>
    %eq3A_94 = arith.constant 0 : i32
    %eq3A_95 = vector.broadcast %eq3A_94 : i32 to vector<256x1xi32>
    %eq3A_96 = arith.cmpi eq, %get3A_92, %eq3A_95 : vector<256x1xi32>
    %jit3A_97 = arith.constant 0.000000e+00 : f32
    %broadcast_in_dim3A_98 = vector.shape_cast %slice3A_93 : vector<1x1xf32> to vector<1x1xf32>
    %broadcast_in_dim3A_99 = vector.broadcast %broadcast_in_dim3A_98 : vector<1x1xf32> to vector<256x1xf32>
    %broadcast_in_dim3A_100 = vector.broadcast %jit3A_97 : f32 to vector<256x1xf32>
    %select_n3A_101 = arith.select %eq3A_96, %broadcast_in_dim3A_99, %broadcast_in_dim3A_100 : vector<256x1xi1>, vector<256x1xf32>
    %add3A_102 = arith.addf %convert_element_type3A_89, %select_n3A_101 : vector<256x1xf32>
    %slice3A_103 = vector.extract_strided_slice %convert_element_type3A {offsets = [0, 1], sizes = [1, 1], strides = [1, 1]} : vector<1x8xf32> to vector<1x1xf32>
    %eq3A_104 = arith.constant 1 : i32
    %eq3A_105 = vector.broadcast %eq3A_104 : i32 to vector<256x1xi32>
    %eq3A_106 = arith.cmpi eq, %get3A_92, %eq3A_105 : vector<256x1xi32>
    %jit3A_107 = arith.constant 0.000000e+00 : f32
    %broadcast_in_dim3A_108 = vector.shape_cast %slice3A_103 : vector<1x1xf32> to vector<1x1xf32>
    %broadcast_in_dim3A_109 = vector.broadcast %broadcast_in_dim3A_108 : vector<1x1xf32> to vector<256x1xf32>
    %broadcast_in_dim3A_110 = vector.broadcast %jit3A_107 : f32 to vector<256x1xf32>
    %select_n3A_111 = arith.select %eq3A_106, %broadcast_in_dim3A_109, %broadcast_in_dim3A_110 : vector<256x1xi1>, vector<256x1xf32>
    %add3A_112 = arith.addf %add3A_102, %select_n3A_111 : vector<256x1xf32>
    %slice3A_113 = vector.extract_strided_slice %convert_element_type3A {offsets = [0, 2], sizes = [1, 1], strides = [1, 1]} : vector<1x8xf32> to vector<1x1xf32>
    %eq3A_114 = arith.constant 2 : i32
    %eq3A_115 = vector.broadcast %eq3A_114 : i32 to vector<256x1xi32>
    %eq3A_116 = arith.cmpi eq, %get3A_92, %eq3A_115 : vector<256x1xi32>
    %jit3A_117 = arith.constant 0.000000e+00 : f32
    %broadcast_in_dim3A_118 = vector.shape_cast %slice3A_113 : vector<1x1xf32> to vector<1x1xf32>
    %broadcast_in_dim3A_119 = vector.broadcast %broadcast_in_dim3A_118 : vector<1x1xf32> to vector<256x1xf32>
    %broadcast_in_dim3A_120 = vector.broadcast %jit3A_117 : f32 to vector<256x1xf32>
    %select_n3A_121 = arith.select %eq3A_116, %broadcast_in_dim3A_119, %broadcast_in_dim3A_120 : vector<256x1xi1>, vector<256x1xf32>
    %add3A_122 = arith.addf %add3A_112, %select_n3A_121 : vector<256x1xf32>
    %slice3A_123 = vector.extract_strided_slice %convert_element_type3A {offsets = [0, 3], sizes = [1, 1], strides = [1, 1]} : vector<1x8xf32> to vector<1x1xf32>
    %eq3A_124 = arith.constant 3 : i32
    %eq3A_125 = vector.broadcast %eq3A_124 : i32 to vector<256x1xi32>
    %eq3A_126 = arith.cmpi eq, %get3A_92, %eq3A_125 : vector<256x1xi32>
    %jit3A_127 = arith.constant 0.000000e+00 : f32
    %broadcast_in_dim3A_128 = vector.shape_cast %slice3A_123 : vector<1x1xf32> to vector<1x1xf32>
    %broadcast_in_dim3A_129 = vector.broadcast %broadcast_in_dim3A_128 : vector<1x1xf32> to vector<256x1xf32>
    %broadcast_in_dim3A_130 = vector.broadcast %jit3A_127 : f32 to vector<256x1xf32>
    %select_n3A_131 = arith.select %eq3A_126, %broadcast_in_dim3A_129, %broadcast_in_dim3A_130 : vector<256x1xi1>, vector<256x1xf32>
    %add3A_132 = arith.addf %add3A_122, %select_n3A_131 : vector<256x1xf32>
    %slice3A_133 = vector.extract_strided_slice %convert_element_type3A {offsets = [0, 4], sizes = [1, 1], strides = [1, 1]} : vector<1x8xf32> to vector<1x1xf32>
    %eq3A_134 = arith.constant 4 : i32
    %eq3A_135 = vector.broadcast %eq3A_134 : i32 to vector<256x1xi32>
    %eq3A_136 = arith.cmpi eq, %get3A_92, %eq3A_135 : vector<256x1xi32>
    %jit3A_137 = arith.constant 0.000000e+00 : f32
    %broadcast_in_dim3A_138 = vector.shape_cast %slice3A_133 : vector<1x1xf32> to vector<1x1xf32>
    %broadcast_in_dim3A_139 = vector.broadcast %broadcast_in_dim3A_138 : vector<1x1xf32> to vector<256x1xf32>
    %broadcast_in_dim3A_140 = vector.broadcast %jit3A_137 : f32 to vector<256x1xf32>
    %select_n3A_141 = arith.select %eq3A_136, %broadcast_in_dim3A_139, %broadcast_in_dim3A_140 : vector<256x1xi1>, vector<256x1xf32>
    %add3A_142 = arith.addf %add3A_132, %select_n3A_141 : vector<256x1xf32>
    %slice3A_143 = vector.extract_strided_slice %convert_element_type3A {offsets = [0, 5], sizes = [1, 1], strides = [1, 1]} : vector<1x8xf32> to vector<1x1xf32>
    %eq3A_144 = arith.constant 5 : i32
    %eq3A_145 = vector.broadcast %eq3A_144 : i32 to vector<256x1xi32>
    %eq3A_146 = arith.cmpi eq, %get3A_92, %eq3A_145 : vector<256x1xi32>
    %jit3A_147 = arith.constant 0.000000e+00 : f32
    %broadcast_in_dim3A_148 = vector.shape_cast %slice3A_143 : vector<1x1xf32> to vector<1x1xf32>
    %broadcast_in_dim3A_149 = vector.broadcast %broadcast_in_dim3A_148 : vector<1x1xf32> to vector<256x1xf32>
    %broadcast_in_dim3A_150 = vector.broadcast %jit3A_147 : f32 to vector<256x1xf32>
    %select_n3A_151 = arith.select %eq3A_146, %broadcast_in_dim3A_149, %broadcast_in_dim3A_150 : vector<256x1xi1>, vector<256x1xf32>
    %add3A_152 = arith.addf %add3A_142, %select_n3A_151 : vector<256x1xf32>
    %slice3A_153 = vector.extract_strided_slice %convert_element_type3A {offsets = [0, 6], sizes = [1, 1], strides = [1, 1]} : vector<1x8xf32> to vector<1x1xf32>
    %eq3A_154 = arith.constant 6 : i32
    %eq3A_155 = vector.broadcast %eq3A_154 : i32 to vector<256x1xi32>
    %eq3A_156 = arith.cmpi eq, %get3A_92, %eq3A_155 : vector<256x1xi32>
    %jit3A_157 = arith.constant 0.000000e+00 : f32
    %broadcast_in_dim3A_158 = vector.shape_cast %slice3A_153 : vector<1x1xf32> to vector<1x1xf32>
    %broadcast_in_dim3A_159 = vector.broadcast %broadcast_in_dim3A_158 : vector<1x1xf32> to vector<256x1xf32>
    %broadcast_in_dim3A_160 = vector.broadcast %jit3A_157 : f32 to vector<256x1xf32>
    %select_n3A_161 = arith.select %eq3A_156, %broadcast_in_dim3A_159, %broadcast_in_dim3A_160 : vector<256x1xi1>, vector<256x1xf32>
    %add3A_162 = arith.addf %add3A_152, %select_n3A_161 : vector<256x1xf32>
    %slice3A_163 = vector.extract_strided_slice %convert_element_type3A {offsets = [0, 7], sizes = [1, 1], strides = [1, 1]} : vector<1x8xf32> to vector<1x1xf32>
    %eq3A_164 = arith.constant 7 : i32
    %eq3A_165 = vector.broadcast %eq3A_164 : i32 to vector<256x1xi32>
    %eq3A_166 = arith.cmpi eq, %get3A_92, %eq3A_165 : vector<256x1xi32>
    %jit3A_167 = arith.constant 0.000000e+00 : f32
    %broadcast_in_dim3A_168 = vector.shape_cast %slice3A_163 : vector<1x1xf32> to vector<1x1xf32>
    %broadcast_in_dim3A_169 = vector.broadcast %broadcast_in_dim3A_168 : vector<1x1xf32> to vector<256x1xf32>
    %broadcast_in_dim3A_170 = vector.broadcast %jit3A_167 : f32 to vector<256x1xf32>
    %select_n3A_171 = arith.select %eq3A_166, %broadcast_in_dim3A_169, %broadcast_in_dim3A_170 : vector<256x1xi1>, vector<256x1xf32>
    %add3A_172 = arith.addf %add3A_162, %select_n3A_171 : vector<256x1xf32>
    %convert_element_type3A_173 = arith.fptosi %add3A_172 : vector<256x1xf32> to vector<256x1xi32>
    %swap3A_174 = arith.constant 0 : index
    %swap3A_175 = arith.constant 0 : index
    %swap3A_176 = vector.load %arg7[%swap3A_174, %swap3A_175] : memref<256x1xi32, #tpu.memory_space<vmem>>, vector<256x1xi32>
    tpu.vector_store %arg7[%swap3A_174, %swap3A_175], %convert_element_type3A_173 {strides = array<i32>} : memref<256x1xi32, #tpu.memory_space<vmem>>, vector<256x1xi32>,
    return
  }
  func.func @transform_0(%arg0: i32) -> (i32, i32) {
    %c0_i32 = arith.constant 0 : i32
    %c0_i32_0 = arith.constant 0 : i32
    return %arg0, %c0_i32 : i32, i32
  }
  func.func @transform_1(%arg0: i32) -> (i32, i32) {
    %c0_i32 = arith.constant 0 : i32
    %c0_i32_0 = arith.constant 0 : i32
    return %arg0, %c0_i32 : i32, i32
  }
  func.func @transform_2(%arg0: i32) -> (i32, i32) {
    %c0_i32 = arith.constant 0 : i32
    %c0_i32_0 = arith.constant 0 : i32
    return %arg0, %c0_i32 : i32, i32
  }
  func.func @transform_3(%arg0: i32) -> (i32, i32) {
    %c0_i32 = arith.constant 0 : i32
    %c0_i32_0 = arith.constant 0 : i32
    return %arg0, %c0_i32 : i32, i32
  }
  func.func @transform_4(%arg0: i32) -> (i32, i32) {
    %c0_i32 = arith.constant 0 : i32
    %c0_i32_0 = arith.constant 0 : i32
    %c0_i32_1 = arith.constant 0 : i32
    return %c0_i32, %c0_i32_0 : i32, i32
  }
  func.func @transform_5(%arg0: i32) -> (i32, i32) {
    %c0_i32 = arith.constant 0 : i32
    %c0_i32_0 = arith.constant 0 : i32
    return %arg0, %c0_i32 : i32, i32
  }
  func.func @transform_6(%arg0: i32) -> (i32, i32) {
    %c0_i32 = arith.constant 0 : i32
    %c0_i32_0 = arith.constant 0 : i32
    return %arg0, %c0_i32 : i32, i32
  }
}

module attributes {stable_mosaic.version = 14 : i64} {
  func.func @_a_body(%arg0: i32, %arg1: memref<256x1024xf32, #tpu.memory_space<vmem>>, %arg2: memref<1024x8xf32, #tpu.memory_space<vmem>>, %arg3: memref<1x8xf32, #tpu.memory_space<vmem>>, %arg4: memref<256x8xf32, #tpu.memory_space<vmem>>, %arg5: memref<256x1xi32, #tpu.memory_space<vmem>>, %arg6: memref<256x1xi32, #tpu.memory_space<vmem>>, %arg7: memref<256x1xi32, #tpu.memory_space<vmem>>, %arg8: memref<256x1xi32, #tpu.memory_space<vmem>>, %arg9: memref<1x8xi32, #tpu.memory_space<vmem>>, %arg10: memref<1x64xi32, #tpu.memory_space<vmem>>, %arg11: memref<1x8xf32, #tpu.memory_space<vmem>>) attributes {dimension_semantics = [#tpu.dimension_semantics<arbitrary>], iteration_bounds = array<i64: 16>, scalar_prefetch = 0 : i64, scratch_operands = 1 : i64, tpu.core_type = #tpu.core_type<tc>, window_params = [{transform_indices = @transform_0, window_bounds = array<i64: 256, 1024>}, {pipeline_mode = #tpu.pipeline_mode<synchronous>, transform_indices = @transform_1, window_bounds = array<i64: 1024, 8>}, {pipeline_mode = #tpu.pipeline_mode<synchronous>, transform_indices = @transform_2, window_bounds = array<i64: 1, 8>}, {transform_indices = @transform_3, window_bounds = array<i64: 256, 8>}, {transform_indices = @transform_4, window_bounds = array<i64: 256, 1>}, {transform_indices = @transform_5, window_bounds = array<i64: 256, 1>}, {transform_indices = @transform_6, window_bounds = array<i64: 256, 1>}, {transform_indices = @transform_7, window_bounds = array<i64: 256, 1>}, {pipeline_mode = #tpu.pipeline_mode<synchronous>, transform_indices = @transform_8, window_bounds = array<i64: 1, 8>}, {pipeline_mode = #tpu.pipeline_mode<synchronous>, transform_indices = @transform_9, window_bounds = array<i64: 1, 64>}]} {
    %eq3A = arith.constant 0 : i32
    %eq3A_0 = arith.cmpi eq, %arg0, %eq3A : i32
    %convert_element_type3A = arith.extui %eq3A_0 : i1 to i32
    %cond3A = arith.constant 0 : i32
    %cond3A_1 = arith.cmpi ne, %convert_element_type3A, %cond3A : i32
    scf.if %cond3A_1 {
      %broadcast_in_dim3A_146 = arith.constant 0.000000e+00 : f32
      %broadcast_in_dim3A_147 = vector.broadcast %broadcast_in_dim3A_146 : f32 to vector<1x8xf32>
      %swap3A_148 = arith.constant 0 : index
      %swap3A_149 = arith.constant 0 : index
      %swap3A_150 = vector.load %arg11[%swap3A_148, %swap3A_149] : memref<1x8xf32, #tpu.memory_space<vmem>>, vector<1x8xf32>
      tpu.vector_store %arg11[%swap3A_148, %swap3A_149], %broadcast_in_dim3A_147 {strides = array<i32>} : memref<1x8xf32, #tpu.memory_space<vmem>>, vector<1x8xf32>,
    } else {
    }
    %get3A = arith.constant 0 : index
    %get3A_2 = arith.constant 0 : index
    %get3A_3 = vector.load %arg1[%get3A, %get3A_2] : memref<256x1024xf32, #tpu.memory_space<vmem>>, vector<256x1024xf32>
    %get3A_4 = arith.constant 0 : index
    %get3A_5 = arith.constant 0 : index
    %get3A_6 = vector.load %arg2[%get3A_4, %get3A_5] : memref<1024x8xf32, #tpu.memory_space<vmem>>, vector<1024x8xf32>
    %get3A_7 = arith.constant 0 : index
    %get3A_8 = arith.constant 0 : index
    %get3A_9 = vector.load %arg3[%get3A_7, %get3A_8] : memref<1x8xf32, #tpu.memory_space<vmem>>, vector<1x8xf32>
    %dot_general3A = arith.constant dense<0.000000e+00> : vector<256x8xf32>
    %dot_general3A_10 = tpu.matmul %get3A_3, %get3A_6, %dot_general3A {dimension_numbers = #tpu.dot_dimension_numbers<[1], [0], [0], [1], [0, 0, 1, 1], [], []>, transpose_lhs_hint = false} : vector<256x1024xf32>, vector<1024x8xf32>, vector<256x8xf32> -> vector<256x8xf32>
    %add3A = vector.broadcast %get3A_9 : vector<1x8xf32> to vector<256x8xf32>
    %add3A_11 = arith.addf %dot_general3A_10, %add3A : vector<256x8xf32>
    %reduce_max3A = arith.constant dense<0xFF800000> : vector<256xf32>
    %reduce_max3A_12 = vector.multi_reduction <maximumf>, %add3A_11, %reduce_max3A [1] : vector<256x8xf32> to vector<256xf32>
    %broadcast_in_dim3A = vector.shape_cast %reduce_max3A_12 : vector<256xf32> to vector<256x1xf32>
    %sub3A = vector.broadcast %broadcast_in_dim3A : vector<256x1xf32> to vector<256x8xf32>
    %sub3A_13 = arith.subf %add3A_11, %sub3A : vector<256x8xf32>
    %exp3A = math.exp %sub3A_13 : vector<256x8xf32>
    %reduce_sum3A = arith.constant dense<0.000000e+00> : vector<256xf32>
    %reduce_sum3A_14 = vector.multi_reduction <add>, %exp3A, %reduce_sum3A [1] : vector<256x8xf32> to vector<256xf32>
    %broadcast_in_dim3A_15 = vector.shape_cast %reduce_sum3A_14 : vector<256xf32> to vector<256x1xf32>
    %div3A = vector.broadcast %broadcast_in_dim3A_15 : vector<256x1xf32> to vector<256x8xf32>
    %div3A_16 = arith.divf %exp3A, %div3A : vector<256x8xf32>
    %broadcast_in_dim3A_17 = arith.constant 0.000000e+00 : f32
    %broadcast_in_dim3A_18 = vector.broadcast %broadcast_in_dim3A_17 : f32 to vector<256x8xf32>
    %slice3A = vector.extract_strided_slice %div3A_16 {offsets = [0, 0], sizes = [256, 1], strides = [1, 1]} : vector<256x8xf32> to vector<256x1xf32>
    %gt3A = vector.broadcast %slice3A : vector<256x1xf32> to vector<256x8xf32>
    %gt3A_19 = arith.cmpf ogt, %gt3A, %div3A_16 : vector<256x8xf32>
    %convert_element_type3A_20 = arith.extui %gt3A_19 : vector<256x8xi1> to vector<256x8xi32>
    %convert_element_type3A_21 = arith.sitofp %convert_element_type3A_20 : vector<256x8xi32> to vector<256x8xf32>
    %add3A_22 = arith.addf %broadcast_in_dim3A_18, %convert_element_type3A_21 : vector<256x8xf32>
    %slice3A_23 = vector.extract_strided_slice %div3A_16 {offsets = [0, 1], sizes = [256, 1], strides = [1, 1]} : vector<256x8xf32> to vector<256x1xf32>
    %gt3A_24 = vector.broadcast %slice3A_23 : vector<256x1xf32> to vector<256x8xf32>
    %gt3A_25 = arith.cmpf ogt, %gt3A_24, %div3A_16 : vector<256x8xf32>
    %convert_element_type3A_26 = arith.extui %gt3A_25 : vector<256x8xi1> to vector<256x8xi32>
    %convert_element_type3A_27 = arith.sitofp %convert_element_type3A_26 : vector<256x8xi32> to vector<256x8xf32>
    %add3A_28 = arith.addf %add3A_22, %convert_element_type3A_27 : vector<256x8xf32>
    %slice3A_29 = vector.extract_strided_slice %div3A_16 {offsets = [0, 2], sizes = [256, 1], strides = [1, 1]} : vector<256x8xf32> to vector<256x1xf32>
    %gt3A_30 = vector.broadcast %slice3A_29 : vector<256x1xf32> to vector<256x8xf32>
    %gt3A_31 = arith.cmpf ogt, %gt3A_30, %div3A_16 : vector<256x8xf32>
    %convert_element_type3A_32 = arith.extui %gt3A_31 : vector<256x8xi1> to vector<256x8xi32>
    %convert_element_type3A_33 = arith.sitofp %convert_element_type3A_32 : vector<256x8xi32> to vector<256x8xf32>
    %add3A_34 = arith.addf %add3A_28, %convert_element_type3A_33 : vector<256x8xf32>
    %slice3A_35 = vector.extract_strided_slice %div3A_16 {offsets = [0, 3], sizes = [256, 1], strides = [1, 1]} : vector<256x8xf32> to vector<256x1xf32>
    %gt3A_36 = vector.broadcast %slice3A_35 : vector<256x1xf32> to vector<256x8xf32>
    %gt3A_37 = arith.cmpf ogt, %gt3A_36, %div3A_16 : vector<256x8xf32>
    %convert_element_type3A_38 = arith.extui %gt3A_37 : vector<256x8xi1> to vector<256x8xi32>
    %convert_element_type3A_39 = arith.sitofp %convert_element_type3A_38 : vector<256x8xi32> to vector<256x8xf32>
    %add3A_40 = arith.addf %add3A_34, %convert_element_type3A_39 : vector<256x8xf32>
    %slice3A_41 = vector.extract_strided_slice %div3A_16 {offsets = [0, 4], sizes = [256, 1], strides = [1, 1]} : vector<256x8xf32> to vector<256x1xf32>
    %gt3A_42 = vector.broadcast %slice3A_41 : vector<256x1xf32> to vector<256x8xf32>
    %gt3A_43 = arith.cmpf ogt, %gt3A_42, %div3A_16 : vector<256x8xf32>
    %convert_element_type3A_44 = arith.extui %gt3A_43 : vector<256x8xi1> to vector<256x8xi32>
    %convert_element_type3A_45 = arith.sitofp %convert_element_type3A_44 : vector<256x8xi32> to vector<256x8xf32>
    %add3A_46 = arith.addf %add3A_40, %convert_element_type3A_45 : vector<256x8xf32>
    %slice3A_47 = vector.extract_strided_slice %div3A_16 {offsets = [0, 5], sizes = [256, 1], strides = [1, 1]} : vector<256x8xf32> to vector<256x1xf32>
    %gt3A_48 = vector.broadcast %slice3A_47 : vector<256x1xf32> to vector<256x8xf32>
    %gt3A_49 = arith.cmpf ogt, %gt3A_48, %div3A_16 : vector<256x8xf32>
    %convert_element_type3A_50 = arith.extui %gt3A_49 : vector<256x8xi1> to vector<256x8xi32>
    %convert_element_type3A_51 = arith.sitofp %convert_element_type3A_50 : vector<256x8xi32> to vector<256x8xf32>
    %add3A_52 = arith.addf %add3A_46, %convert_element_type3A_51 : vector<256x8xf32>
    %slice3A_53 = vector.extract_strided_slice %div3A_16 {offsets = [0, 6], sizes = [256, 1], strides = [1, 1]} : vector<256x8xf32> to vector<256x1xf32>
    %gt3A_54 = vector.broadcast %slice3A_53 : vector<256x1xf32> to vector<256x8xf32>
    %gt3A_55 = arith.cmpf ogt, %gt3A_54, %div3A_16 : vector<256x8xf32>
    %convert_element_type3A_56 = arith.extui %gt3A_55 : vector<256x8xi1> to vector<256x8xi32>
    %convert_element_type3A_57 = arith.sitofp %convert_element_type3A_56 : vector<256x8xi32> to vector<256x8xf32>
    %add3A_58 = arith.addf %add3A_52, %convert_element_type3A_57 : vector<256x8xf32>
    %slice3A_59 = vector.extract_strided_slice %div3A_16 {offsets = [0, 7], sizes = [256, 1], strides = [1, 1]} : vector<256x8xf32> to vector<256x1xf32>
    %gt3A_60 = vector.broadcast %slice3A_59 : vector<256x1xf32> to vector<256x8xf32>
    %gt3A_61 = arith.cmpf ogt, %gt3A_60, %div3A_16 : vector<256x8xf32>
    %convert_element_type3A_62 = arith.extui %gt3A_61 : vector<256x8xi1> to vector<256x8xi32>
    %convert_element_type3A_63 = arith.sitofp %convert_element_type3A_62 : vector<256x8xi32> to vector<256x8xf32>
    %add3A_64 = arith.addf %add3A_58, %convert_element_type3A_63 : vector<256x8xf32>
    %lt3A = arith.constant 2.000000e+00 : f32
    %lt3A_65 = vector.broadcast %lt3A : f32 to vector<256x8xf32>
    %lt3A_66 = arith.cmpf olt, %add3A_64, %lt3A_65 : vector<256x8xf32>
    %jit3A = arith.constant 0.000000e+00 : f32
    %broadcast_in_dim3A_67 = vector.broadcast %jit3A : f32 to vector<256x8xf32>
    %select_n3A = arith.select %lt3A_66, %div3A_16, %broadcast_in_dim3A_67 : vector<256x8xi1>, vector<256x8xf32>
    %swap3A = arith.constant 0 : index
    %swap3A_68 = arith.constant 0 : index
    %swap3A_69 = vector.load %arg4[%swap3A, %swap3A_68] : memref<256x8xf32, #tpu.memory_space<vmem>>, vector<256x8xf32>
    tpu.vector_store %arg4[%swap3A, %swap3A_68], %select_n3A {strides = array<i32>} : memref<256x8xf32, #tpu.memory_space<vmem>>, vector<256x8xf32>,
    %gt3A_70 = arith.constant 0.000000e+00 : f32
    %gt3A_71 = vector.broadcast %gt3A_70 : f32 to vector<256x8xf32>
    %gt3A_72 = arith.cmpf ogt, %select_n3A, %gt3A_71 : vector<256x8xf32>
    %convert_element_type3A_73 = arith.extui %gt3A_72 : vector<256x8xi1> to vector<256x8xi32>
    %convert_element_type3A_74 = arith.sitofp %convert_element_type3A_73 : vector<256x8xi32> to vector<256x8xf32>
    %iota3A = tpu.iota {dimensions = array<i32: 0>} : vector<256x256xi32>
    %iota3A_75 = tpu.iota {dimensions = array<i32: 1>} : vector<256x256xi32>
    %gt3A_76 = arith.cmpi sgt, %iota3A, %iota3A_75 : vector<256x256xi32>
    %convert_element_type3A_77 = arith.extui %gt3A_76 : vector<256x256xi1> to vector<256x256xi32>
    %convert_element_type3A_78 = arith.sitofp %convert_element_type3A_77 : vector<256x256xi32> to vector<256x256xf32>
    %convert_element_type3A_79 = arith.truncf %convert_element_type3A_78 : vector<256x256xf32> to vector<256x256xbf16>
    %convert_element_type3A_80 = arith.truncf %convert_element_type3A_74 : vector<256x8xf32> to vector<256x8xbf16>
    %dot_general3A_81 = arith.constant dense<0.000000e+00> : vector<256x8xf32>
    %dot_general3A_82 = tpu.matmul %convert_element_type3A_79, %convert_element_type3A_80, %dot_general3A_81 {dimension_numbers = #tpu.dot_dimension_numbers<[1], [0], [0], [1], [0, 0, 1, 1], [], []>, transpose_lhs_hint = false} : vector<256x256xbf16>, vector<256x8xbf16>, vector<256x8xf32> -> vector<256x8xf32>
    %get3A_83 = arith.constant 0 : index
    %get3A_84 = arith.constant 0 : index
    %get3A_85 = vector.load %arg11[%get3A_83, %get3A_84] : memref<1x8xf32, #tpu.memory_space<vmem>>, vector<1x8xf32>
    %add3A_86 = vector.broadcast %get3A_85 : vector<1x8xf32> to vector<256x8xf32>
    %add3A_87 = arith.addf %add3A_86, %dot_general3A_82 : vector<256x8xf32>
    %gt3A_88 = arith.constant 0.000000e+00 : f32
    %gt3A_89 = vector.broadcast %gt3A_88 : f32 to vector<256x8xf32>
    %gt3A_90 = arith.cmpf ogt, %select_n3A, %gt3A_89 : vector<256x8xf32>
    %iota3A_91 = tpu.iota {dimensions = array<i32: 1>} : vector<256x8xi32>
    %jit3A_92 = arith.constant 8 : i32
    %broadcast_in_dim3A_93 = vector.broadcast %jit3A_92 : i32 to vector<256x8xi32>
    %select_n3A_94 = arith.select %gt3A_90, %iota3A_91, %broadcast_in_dim3A_93 : vector<256x8xi1>, vector<256x8xi32>
    %reduce_min3A = arith.constant dense<2147483647> : vector<256xi32>
    %reduce_min3A_95 = vector.multi_reduction <minsi>, %select_n3A_94, %reduce_min3A [1] : vector<256x8xi32> to vector<256xi32>
    %broadcast_in_dim3A_96 = vector.shape_cast %reduce_min3A_95 : vector<256xi32> to vector<256x1xi32>
    %jit3A_97 = arith.constant -1 : i32
    %broadcast_in_dim3A_98 = vector.broadcast %jit3A_97 : i32 to vector<256x8xi32>
    %select_n3A_99 = arith.select %gt3A_90, %iota3A_91, %broadcast_in_dim3A_98 : vector<256x8xi1>, vector<256x8xi32>
    %reduce_max3A_100 = arith.constant dense<-2147483648> : vector<256xi32>
    %reduce_max3A_101 = vector.multi_reduction <maxsi>, %select_n3A_99, %reduce_max3A_100 [1] : vector<256x8xi32> to vector<256xi32>
    %broadcast_in_dim3A_102 = vector.shape_cast %reduce_max3A_101 : vector<256xi32> to vector<256x1xi32>
    %iota3A_103 = tpu.iota {dimensions = array<i32: 1>} : vector<256x8xi32>
    %eq3A_104 = vector.broadcast %broadcast_in_dim3A_96 : vector<256x1xi32> to vector<256x8xi32>
    %eq3A_105 = arith.cmpi eq, %iota3A_103, %eq3A_104 : vector<256x8xi32>
    %jit3A_106 = arith.constant 0.000000e+00 : f32
    %broadcast_in_dim3A_107 = vector.broadcast %jit3A_106 : f32 to vector<256x8xf32>
    %select_n3A_108 = arith.select %eq3A_105, %add3A_87, %broadcast_in_dim3A_107 : vector<256x8xi1>, vector<256x8xf32>
    %reduce_sum3A_109 = arith.constant dense<0.000000e+00> : vector<256xf32>
    %reduce_sum3A_110 = vector.multi_reduction <add>, %select_n3A_108, %reduce_sum3A_109 [1] : vector<256x8xf32> to vector<256xf32>
    %broadcast_in_dim3A_111 = vector.shape_cast %reduce_sum3A_110 : vector<256xf32> to vector<256x1xf32>
    %eq3A_112 = vector.broadcast %broadcast_in_dim3A_102 : vector<256x1xi32> to vector<256x8xi32>
    %eq3A_113 = arith.cmpi eq, %iota3A_103, %eq3A_112 : vector<256x8xi32>
    %jit3A_114 = arith.constant 0.000000e+00 : f32
    %broadcast_in_dim3A_115 = vector.broadcast %jit3A_114 : f32 to vector<256x8xf32>
    %select_n3A_116 = arith.select %eq3A_113, %add3A_87, %broadcast_in_dim3A_115 : vector<256x8xi1>, vector<256x8xf32>
    %reduce_sum3A_117 = arith.constant dense<0.000000e+00> : vector<256xf32>
    %reduce_sum3A_118 = vector.multi_reduction <add>, %select_n3A_116, %reduce_sum3A_117 [1] : vector<256x8xf32> to vector<256xf32>
    %broadcast_in_dim3A_119 = vector.shape_cast %reduce_sum3A_118 : vector<256xf32> to vector<256x1xf32>
    %swap3A_120 = arith.constant 0 : index
    %swap3A_121 = arith.constant 0 : index
    %swap3A_122 = vector.load %arg5[%swap3A_120, %swap3A_121] : memref<256x1xi32, #tpu.memory_space<vmem>>, vector<256x1xi32>
    tpu.vector_store %arg5[%swap3A_120, %swap3A_121], %broadcast_in_dim3A_96 {strides = array<i32>} : memref<256x1xi32, #tpu.memory_space<vmem>>, vector<256x1xi32>,
    %swap3A_123 = arith.constant 0 : index
    %swap3A_124 = arith.constant 0 : index
    %swap3A_125 = vector.load %arg6[%swap3A_123, %swap3A_124] : memref<256x1xi32, #tpu.memory_space<vmem>>, vector<256x1xi32>
    tpu.vector_store %arg6[%swap3A_123, %swap3A_124], %broadcast_in_dim3A_102 {strides = array<i32>} : memref<256x1xi32, #tpu.memory_space<vmem>>, vector<256x1xi32>,
    %convert_element_type3A_126 = arith.fptosi %broadcast_in_dim3A_111 : vector<256x1xf32> to vector<256x1xi32>
    %swap3A_127 = arith.constant 0 : index
    %swap3A_128 = arith.constant 0 : index
    %swap3A_129 = vector.load %arg7[%swap3A_127, %swap3A_128] : memref<256x1xi32, #tpu.memory_space<vmem>>, vector<256x1xi32>
    tpu.vector_store %arg7[%swap3A_127, %swap3A_128], %convert_element_type3A_126 {strides = array<i32>} : memref<256x1xi32, #tpu.memory_space<vmem>>, vector<256x1xi32>,
    %convert_element_type3A_130 = arith.fptosi %broadcast_in_dim3A_119 : vector<256x1xf32> to vector<256x1xi32>
    %swap3A_131 = arith.constant 0 : index
    %swap3A_132 = arith.constant 0 : index
    %swap3A_133 = vector.load %arg8[%swap3A_131, %swap3A_132] : memref<256x1xi32, #tpu.memory_space<vmem>>, vector<256x1xi32>
    tpu.vector_store %arg8[%swap3A_131, %swap3A_132], %convert_element_type3A_130 {strides = array<i32>} : memref<256x1xi32, #tpu.memory_space<vmem>>, vector<256x1xi32>,
    %reduce_sum3A_134 = arith.constant dense<0.000000e+00> : vector<8xf32>
    %reduce_sum3A_135 = vector.multi_reduction <add>, %convert_element_type3A_74, %reduce_sum3A_134 [0] : vector<256x8xf32> to vector<8xf32>
    %broadcast_in_dim3A_136 = vector.shape_cast %reduce_sum3A_135 : vector<8xf32> to vector<1x8xf32>
    %add3A_137 = arith.addf %get3A_85, %broadcast_in_dim3A_136 : vector<1x8xf32>
    %swap3A_138 = arith.constant 0 : index
    %swap3A_139 = arith.constant 0 : index
    %swap3A_140 = vector.load %arg11[%swap3A_138, %swap3A_139] : memref<1x8xf32, #tpu.memory_space<vmem>>, vector<1x8xf32>
    tpu.vector_store %arg11[%swap3A_138, %swap3A_139], %add3A_137 {strides = array<i32>} : memref<1x8xf32, #tpu.memory_space<vmem>>, vector<1x8xf32>,
    %eq3A_141 = arith.constant 15 : i32
    %eq3A_142 = arith.cmpi eq, %arg0, %eq3A_141 : i32
    %convert_element_type3A_143 = arith.extui %eq3A_142 : i1 to i32
    %cond3A_144 = arith.constant 0 : i32
    %cond3A_145 = arith.cmpi ne, %convert_element_type3A_143, %cond3A_144 : i32
    scf.if %cond3A_145 {
      %add3A_146 = arith.constant 2.550000e+02 : f32
      %add3A_147 = vector.broadcast %add3A_146 : f32 to vector<1x8xf32>
      %add3A_148 = arith.addf %add3A_137, %add3A_147 : vector<1x8xf32>
      %mul3A = arith.constant 3.906250e-03 : f32
      %mul3A_149 = vector.broadcast %mul3A : f32 to vector<1x8xf32>
      %mul3A_150 = arith.mulf %add3A_148, %mul3A_149 : vector<1x8xf32>
      %floor3A = math.floor %mul3A_150 : vector<1x8xf32>
      %iota3A_151 = tpu.iota {dimensions = array<i32: 0>} : vector<8x8xi32>
      %iota3A_152 = tpu.iota {dimensions = array<i32: 1>} : vector<8x8xi32>
      %lt3A_153 = arith.cmpi slt, %iota3A_151, %iota3A_152 : vector<8x8xi32>
      %convert_element_type3A_154 = arith.extui %lt3A_153 : vector<8x8xi1> to vector<8x8xi32>
      %convert_element_type3A_155 = arith.sitofp %convert_element_type3A_154 : vector<8x8xi32> to vector<8x8xf32>
      %convert_element_type3A_156 = arith.truncf %convert_element_type3A_155 : vector<8x8xf32> to vector<8x8xbf16>
      %convert_element_type3A_157 = arith.truncf %floor3A : vector<1x8xf32> to vector<1x8xbf16>
      %dot_general3A_158 = arith.constant dense<0.000000e+00> : vector<1x8xf32>
      %dot_general3A_159 = tpu.matmul %convert_element_type3A_157, %convert_element_type3A_156, %dot_general3A_158 {dimension_numbers = #tpu.dot_dimension_numbers<[1], [0], [0], [1], [0, 0, 1, 1], [], []>, transpose_lhs_hint = false} : vector<1x8xbf16>, vector<8x8xbf16>, vector<1x8xf32> -> vector<1x8xf32>
      %mul3A_160 = arith.constant 2.560000e+02 : f32
      %mul3A_161 = vector.broadcast %mul3A_160 : f32 to vector<1x8xf32>
      %mul3A_162 = arith.mulf %dot_general3A_159, %mul3A_161 : vector<1x8xf32>
      %convert_element_type3A_163 = arith.fptosi %mul3A_162 : vector<1x8xf32> to vector<1x8xi32>
      %swap3A_164 = arith.constant 0 : index
      %swap3A_165 = arith.constant 0 : index
      %swap3A_166 = vector.load %arg9[%swap3A_164, %swap3A_165] : memref<1x8xi32, #tpu.memory_space<vmem>>, vector<1x8xi32>
      tpu.vector_store %arg9[%swap3A_164, %swap3A_165], %convert_element_type3A_163 {strides = array<i32>} : memref<1x8xi32, #tpu.memory_space<vmem>>, vector<1x8xi32>,
      %broadcast_in_dim3A_167 = arith.constant 0.000000e+00 : f32
      %broadcast_in_dim3A_168 = vector.broadcast %broadcast_in_dim3A_167 : f32 to vector<1x64xf32>
      %iota3A_169 = tpu.iota {dimensions = array<i32: 1>} : vector<1x64xi32>
      %convert_element_type3A_170 = arith.sitofp %iota3A_169 : vector<1x64xi32> to vector<1x64xf32>
      %slice3A_171 = vector.extract_strided_slice %dot_general3A_159 {offsets = [0, 0], sizes = [1, 1], strides = [1, 1]} : vector<1x8xf32> to vector<1x1xf32>
      %ge3A = vector.broadcast %slice3A_171 : vector<1x1xf32> to vector<1x64xf32>
      %ge3A_172 = arith.cmpf oge, %convert_element_type3A_170, %ge3A : vector<1x64xf32>
      %convert_element_type3A_173 = arith.extui %ge3A_172 : vector<1x64xi1> to vector<1x64xi32>
      %convert_element_type3A_174 = arith.sitofp %convert_element_type3A_173 : vector<1x64xi32> to vector<1x64xf32>
      %add3A_175 = arith.addf %broadcast_in_dim3A_168, %convert_element_type3A_174 : vector<1x64xf32>
      %slice3A_176 = vector.extract_strided_slice %dot_general3A_159 {offsets = [0, 1], sizes = [1, 1], strides = [1, 1]} : vector<1x8xf32> to vector<1x1xf32>
      %ge3A_177 = vector.broadcast %slice3A_176 : vector<1x1xf32> to vector<1x64xf32>
      %ge3A_178 = arith.cmpf oge, %convert_element_type3A_170, %ge3A_177 : vector<1x64xf32>
      %convert_element_type3A_179 = arith.extui %ge3A_178 : vector<1x64xi1> to vector<1x64xi32>
      %convert_element_type3A_180 = arith.sitofp %convert_element_type3A_179 : vector<1x64xi32> to vector<1x64xf32>
      %add3A_181 = arith.addf %add3A_175, %convert_element_type3A_180 : vector<1x64xf32>
      %slice3A_182 = vector.extract_strided_slice %dot_general3A_159 {offsets = [0, 2], sizes = [1, 1], strides = [1, 1]} : vector<1x8xf32> to vector<1x1xf32>
      %ge3A_183 = vector.broadcast %slice3A_182 : vector<1x1xf32> to vector<1x64xf32>
      %ge3A_184 = arith.cmpf oge, %convert_element_type3A_170, %ge3A_183 : vector<1x64xf32>
      %convert_element_type3A_185 = arith.extui %ge3A_184 : vector<1x64xi1> to vector<1x64xi32>
      %convert_element_type3A_186 = arith.sitofp %convert_element_type3A_185 : vector<1x64xi32> to vector<1x64xf32>
      %add3A_187 = arith.addf %add3A_181, %convert_element_type3A_186 : vector<1x64xf32>
      %slice3A_188 = vector.extract_strided_slice %dot_general3A_159 {offsets = [0, 3], sizes = [1, 1], strides = [1, 1]} : vector<1x8xf32> to vector<1x1xf32>
      %ge3A_189 = vector.broadcast %slice3A_188 : vector<1x1xf32> to vector<1x64xf32>
      %ge3A_190 = arith.cmpf oge, %convert_element_type3A_170, %ge3A_189 : vector<1x64xf32>
      %convert_element_type3A_191 = arith.extui %ge3A_190 : vector<1x64xi1> to vector<1x64xi32>
      %convert_element_type3A_192 = arith.sitofp %convert_element_type3A_191 : vector<1x64xi32> to vector<1x64xf32>
      %add3A_193 = arith.addf %add3A_187, %convert_element_type3A_192 : vector<1x64xf32>
      %slice3A_194 = vector.extract_strided_slice %dot_general3A_159 {offsets = [0, 4], sizes = [1, 1], strides = [1, 1]} : vector<1x8xf32> to vector<1x1xf32>
      %ge3A_195 = vector.broadcast %slice3A_194 : vector<1x1xf32> to vector<1x64xf32>
      %ge3A_196 = arith.cmpf oge, %convert_element_type3A_170, %ge3A_195 : vector<1x64xf32>
      %convert_element_type3A_197 = arith.extui %ge3A_196 : vector<1x64xi1> to vector<1x64xi32>
      %convert_element_type3A_198 = arith.sitofp %convert_element_type3A_197 : vector<1x64xi32> to vector<1x64xf32>
      %add3A_199 = arith.addf %add3A_193, %convert_element_type3A_198 : vector<1x64xf32>
      %slice3A_200 = vector.extract_strided_slice %dot_general3A_159 {offsets = [0, 5], sizes = [1, 1], strides = [1, 1]} : vector<1x8xf32> to vector<1x1xf32>
      %ge3A_201 = vector.broadcast %slice3A_200 : vector<1x1xf32> to vector<1x64xf32>
      %ge3A_202 = arith.cmpf oge, %convert_element_type3A_170, %ge3A_201 : vector<1x64xf32>
      %convert_element_type3A_203 = arith.extui %ge3A_202 : vector<1x64xi1> to vector<1x64xi32>
      %convert_element_type3A_204 = arith.sitofp %convert_element_type3A_203 : vector<1x64xi32> to vector<1x64xf32>
      %add3A_205 = arith.addf %add3A_199, %convert_element_type3A_204 : vector<1x64xf32>
      %slice3A_206 = vector.extract_strided_slice %dot_general3A_159 {offsets = [0, 6], sizes = [1, 1], strides = [1, 1]} : vector<1x8xf32> to vector<1x1xf32>
      %ge3A_207 = vector.broadcast %slice3A_206 : vector<1x1xf32> to vector<1x64xf32>
      %ge3A_208 = arith.cmpf oge, %convert_element_type3A_170, %ge3A_207 : vector<1x64xf32>
      %convert_element_type3A_209 = arith.extui %ge3A_208 : vector<1x64xi1> to vector<1x64xi32>
      %convert_element_type3A_210 = arith.sitofp %convert_element_type3A_209 : vector<1x64xi32> to vector<1x64xf32>
      %add3A_211 = arith.addf %add3A_205, %convert_element_type3A_210 : vector<1x64xf32>
      %slice3A_212 = vector.extract_strided_slice %dot_general3A_159 {offsets = [0, 7], sizes = [1, 1], strides = [1, 1]} : vector<1x8xf32> to vector<1x1xf32>
      %ge3A_213 = vector.broadcast %slice3A_212 : vector<1x1xf32> to vector<1x64xf32>
      %ge3A_214 = arith.cmpf oge, %convert_element_type3A_170, %ge3A_213 : vector<1x64xf32>
      %convert_element_type3A_215 = arith.extui %ge3A_214 : vector<1x64xi1> to vector<1x64xi32>
      %convert_element_type3A_216 = arith.sitofp %convert_element_type3A_215 : vector<1x64xi32> to vector<1x64xf32>
      %add3A_217 = arith.addf %add3A_211, %convert_element_type3A_216 : vector<1x64xf32>
      %sub3A_218 = arith.constant 1.000000e+00 : f32
      %sub3A_219 = vector.broadcast %sub3A_218 : f32 to vector<1x64xf32>
      %sub3A_220 = arith.subf %add3A_217, %sub3A_219 : vector<1x64xf32>
      %convert_element_type3A_221 = arith.fptosi %sub3A_220 : vector<1x64xf32> to vector<1x64xi32>
      %swap3A_222 = arith.constant 0 : index
      %swap3A_223 = arith.constant 0 : index
      %swap3A_224 = vector.load %arg10[%swap3A_222, %swap3A_223] : memref<1x64xi32, #tpu.memory_space<vmem>>, vector<1x64xi32>
      tpu.vector_store %arg10[%swap3A_222, %swap3A_223], %convert_element_type3A_221 {strides = array<i32>} : memref<1x64xi32, #tpu.memory_space<vmem>>, vector<1x64xi32>,
    } else {
    }
    return
  }
  func.func @transform_0(%arg0: i32) -> (i32, i32) {
    %c0_i32 = arith.constant 0 : i32
    %c0_i32_0 = arith.constant 0 : i32
    return %arg0, %c0_i32 : i32, i32
  }
  func.func @transform_1(%arg0: i32) -> (i32, i32) {
    %c0_i32 = arith.constant 0 : i32
    %c0_i32_0 = arith.constant 0 : i32
    %c0_i32_1 = arith.constant 0 : i32
    return %c0_i32, %c0_i32_0 : i32, i32
  }
  func.func @transform_2(%arg0: i32) -> (i32, i32) {
    %c0_i32 = arith.constant 0 : i32
    %c0_i32_0 = arith.constant 0 : i32
    %c0_i32_1 = arith.constant 0 : i32
    return %c0_i32, %c0_i32_0 : i32, i32
  }
  func.func @transform_3(%arg0: i32) -> (i32, i32) {
    %c0_i32 = arith.constant 0 : i32
    %c0_i32_0 = arith.constant 0 : i32
    return %arg0, %c0_i32 : i32, i32
  }
  func.func @transform_4(%arg0: i32) -> (i32, i32) {
    %c0_i32 = arith.constant 0 : i32
    %c0_i32_0 = arith.constant 0 : i32
    return %arg0, %c0_i32 : i32, i32
  }
  func.func @transform_5(%arg0: i32) -> (i32, i32) {
    %c0_i32 = arith.constant 0 : i32
    %c0_i32_0 = arith.constant 0 : i32
    return %arg0, %c0_i32 : i32, i32
  }
  func.func @transform_6(%arg0: i32) -> (i32, i32) {
    %c0_i32 = arith.constant 0 : i32
    %c0_i32_0 = arith.constant 0 : i32
    return %arg0, %c0_i32 : i32, i32
  }
  func.func @transform_7(%arg0: i32) -> (i32, i32) {
    %c0_i32 = arith.constant 0 : i32
    %c0_i32_0 = arith.constant 0 : i32
    return %arg0, %c0_i32 : i32, i32
  }
  func.func @transform_8(%arg0: i32) -> (i32, i32) {
    %c0_i32 = arith.constant 0 : i32
    %c0_i32_0 = arith.constant 0 : i32
    %c0_i32_1 = arith.constant 0 : i32
    return %c0_i32, %c0_i32_0 : i32, i32
  }
  func.func @transform_9(%arg0: i32) -> (i32, i32) {
    %c0_i32 = arith.constant 0 : i32
    %c0_i32_0 = arith.constant 0 : i32
    %c0_i32_1 = arith.constant 0 : i32
    return %c0_i32, %c0_i32_0 : i32, i32
  }
}

module attributes {stable_mosaic.version = 14 : i64} {
  func.func @_d_body(%arg0: i32, %arg1: memref<64xi32, #tpu.memory_space<smem>>, %arg2: memref<256x1024xf32, #tpu.memory_space<vmem>>, %arg3: memref<1x1024x1024xbf16, #tpu.memory_space<vmem>>, %arg4: memref<256x1024xf32, #tpu.memory_space<vmem>>) attributes {dimension_semantics = [#tpu.dimension_semantics<arbitrary>], iteration_bounds = array<i64: 40>, scalar_prefetch = 1 : i64, scratch_operands = 0 : i64, tpu.core_type = #tpu.core_type<tc>, window_params = [{transform_indices = @transform_0, window_bounds = array<i64: 256, 1024>}, {transform_indices = @transform_1, window_bounds = array<i64: 1, 1024, 1024>}, {transform_indices = @transform_2, window_bounds = array<i64: 256, 1024>}]} {
    %get3A = arith.constant 0 : index
    %get3A_0 = arith.constant 0 : index
    %get3A_1 = vector.load %arg2[%get3A, %get3A_0] : memref<256x1024xf32, #tpu.memory_space<vmem>>, vector<256x1024xf32>
    %convert_element_type3A = arith.truncf %get3A_1 : vector<256x1024xf32> to vector<256x1024xbf16>
    %get3A_2 = arith.constant 0 : index
    %get3A_3 = arith.constant 0 : index
    %get3A_4 = arith.constant 0 : index
    %get3A_5 = vector.load %arg3[%get3A_2, %get3A_3, %get3A_4] : memref<1x1024x1024xbf16, #tpu.memory_space<vmem>>, vector<1x1024x1024xbf16>
    %get3A_6 = vector.shape_cast %get3A_5 : vector<1x1024x1024xbf16> to vector<1024x1024xbf16>
    %dot_general3A = arith.constant dense<0.000000e+00> : vector<256x1024xf32>
    %dot_general3A_7 = tpu.matmul %convert_element_type3A, %get3A_6, %dot_general3A {dimension_numbers = #tpu.dot_dimension_numbers<[1], [0], [0], [1], [0, 0, 1, 1], [], []>, transpose_lhs_hint = false} : vector<256x1024xbf16>, vector<1024x1024xbf16>, vector<256x1024xf32> -> vector<256x1024xf32>
    %swap3A = arith.constant 0 : index
    %swap3A_8 = arith.constant 0 : index
    %swap3A_9 = vector.load %arg4[%swap3A, %swap3A_8] : memref<256x1024xf32, #tpu.memory_space<vmem>>, vector<256x1024xf32>
    tpu.vector_store %arg4[%swap3A, %swap3A_8], %dot_general3A_7 {strides = array<i32>} : memref<256x1024xf32, #tpu.memory_space<vmem>>, vector<256x1024xf32>,
    return
  }
  func.func @transform_0(%arg0: i32, %arg1: memref<64xi32, #tpu.memory_space<smem>>) -> (i32, i32) {
    %c0_i32 = arith.constant 0 : i32
    %c0_i32_0 = arith.constant 0 : i32
    return %arg0, %c0_i32 : i32, i32
  }
  func.func @transform_1(%arg0: i32, %arg1: memref<64xi32, #tpu.memory_space<smem>>) -> (i32, i32, i32) {
    %get3A = arith.index_cast %arg0 : i32 to index
    %get3A_0 = memref.load %arg1[%get3A] : memref<64xi32, #tpu.memory_space<smem>>
    %c0_i32 = arith.constant 0 : i32
    %c0_i32_1 = arith.constant 0 : i32
    %c0_i32_2 = arith.constant 0 : i32
    return %get3A_0, %c0_i32, %c0_i32_1 : i32, i32, i32
  }
  func.func @transform_2(%arg0: i32, %arg1: memref<64xi32, #tpu.memory_space<smem>>) -> (i32, i32) {
    %c0_i32 = arith.constant 0 : i32
    %c0_i32_0 = arith.constant 0 : i32
    return %arg0, %c0_i32 : i32, i32
  }
}

module attributes {stable_mosaic.version = 14 : i64} {
  func.func @_e_body(%arg0: i32, %arg1: memref<256x1024xf32, #tpu.memory_space<vmem>>, %arg2: memref<256x1024xf32, #tpu.memory_space<vmem>>, %arg3: memref<256x8xf32, #tpu.memory_space<vmem>>, %arg4: memref<8x1024xf32, #tpu.memory_space<vmem>>, %arg5: memref<256x1024xf32, #tpu.memory_space<vmem>>) attributes {dimension_semantics = [#tpu.dimension_semantics<arbitrary>], iteration_bounds = array<i64: 16>, scalar_prefetch = 0 : i64, scratch_operands = 0 : i64, tpu.core_type = #tpu.core_type<tc>, window_params = [{transform_indices = @transform_0, window_bounds = array<i64: 256, 1024>}, {transform_indices = @transform_1, window_bounds = array<i64: 256, 1024>}, {transform_indices = @transform_2, window_bounds = array<i64: 256, 8>}, {pipeline_mode = #tpu.pipeline_mode<synchronous>, transform_indices = @transform_3, window_bounds = array<i64: 8, 1024>}, {transform_indices = @transform_4, window_bounds = array<i64: 256, 1024>}]} {
    %get3A = arith.constant 0 : index
    %get3A_0 = arith.constant 0 : index
    %get3A_1 = vector.load %arg3[%get3A, %get3A_0] : memref<256x8xf32, #tpu.memory_space<vmem>>, vector<256x8xf32>
    %gt3A = arith.constant 0.000000e+00 : f32
    %gt3A_2 = vector.broadcast %gt3A : f32 to vector<256x8xf32>
    %gt3A_3 = arith.cmpf ogt, %get3A_1, %gt3A_2 : vector<256x8xf32>
    %iota3A = tpu.iota {dimensions = array<i32: 1>} : vector<256x8xi32>
    %jit3A = arith.constant 8 : i32
    %broadcast_in_dim3A = vector.broadcast %jit3A : i32 to vector<256x8xi32>
    %select_n3A = arith.select %gt3A_3, %iota3A, %broadcast_in_dim3A : vector<256x8xi1>, vector<256x8xi32>
    %reduce_min3A = arith.constant dense<2147483647> : vector<256xi32>
    %reduce_min3A_4 = vector.multi_reduction <minsi>, %select_n3A, %reduce_min3A [1] : vector<256x8xi32> to vector<256xi32>
    %broadcast_in_dim3A_5 = vector.shape_cast %reduce_min3A_4 : vector<256xi32> to vector<256x1xi32>
    %jit3A_6 = arith.constant -1 : i32
    %broadcast_in_dim3A_7 = vector.broadcast %jit3A_6 : i32 to vector<256x8xi32>
    %select_n3A_8 = arith.select %gt3A_3, %iota3A, %broadcast_in_dim3A_7 : vector<256x8xi1>, vector<256x8xi32>
    %reduce_max3A = arith.constant dense<-2147483648> : vector<256xi32>
    %reduce_max3A_9 = vector.multi_reduction <maxsi>, %select_n3A_8, %reduce_max3A [1] : vector<256x8xi32> to vector<256xi32>
    %broadcast_in_dim3A_10 = vector.shape_cast %reduce_max3A_9 : vector<256xi32> to vector<256x1xi32>
    %eq3A = vector.broadcast %broadcast_in_dim3A_5 : vector<256x1xi32> to vector<256x8xi32>
    %eq3A_11 = arith.cmpi eq, %iota3A, %eq3A : vector<256x8xi32>
    %jit3A_12 = arith.constant 0.000000e+00 : f32
    %broadcast_in_dim3A_13 = vector.broadcast %jit3A_12 : f32 to vector<256x8xf32>
    %select_n3A_14 = arith.select %eq3A_11, %get3A_1, %broadcast_in_dim3A_13 : vector<256x8xi1>, vector<256x8xf32>
    %reduce_sum3A = arith.constant dense<0.000000e+00> : vector<256xf32>
    %reduce_sum3A_15 = vector.multi_reduction <add>, %select_n3A_14, %reduce_sum3A [1] : vector<256x8xf32> to vector<256xf32>
    %broadcast_in_dim3A_16 = vector.shape_cast %reduce_sum3A_15 : vector<256xf32> to vector<256x1xf32>
    %eq3A_17 = vector.broadcast %broadcast_in_dim3A_10 : vector<256x1xi32> to vector<256x8xi32>
    %eq3A_18 = arith.cmpi eq, %iota3A, %eq3A_17 : vector<256x8xi32>
    %jit3A_19 = arith.constant 0.000000e+00 : f32
    %broadcast_in_dim3A_20 = vector.broadcast %jit3A_19 : f32 to vector<256x8xf32>
    %select_n3A_21 = arith.select %eq3A_18, %get3A_1, %broadcast_in_dim3A_20 : vector<256x8xi1>, vector<256x8xf32>
    %reduce_sum3A_22 = arith.constant dense<0.000000e+00> : vector<256xf32>
    %reduce_sum3A_23 = vector.multi_reduction <add>, %select_n3A_21, %reduce_sum3A_22 [1] : vector<256x8xf32> to vector<256xf32>
    %broadcast_in_dim3A_24 = vector.shape_cast %reduce_sum3A_23 : vector<256xf32> to vector<256x1xf32>
    %get3A_25 = arith.constant 0 : index
    %get3A_26 = arith.constant 0 : index
    %get3A_27 = vector.load %arg4[%get3A_25, %get3A_26] : memref<8x1024xf32, #tpu.memory_space<vmem>>, vector<8x1024xf32>
    %dot_general3A = arith.constant dense<0.000000e+00> : vector<256x1024xf32>
    %dot_general3A_28 = tpu.matmul %get3A_1, %get3A_27, %dot_general3A {dimension_numbers = #tpu.dot_dimension_numbers<[1], [0], [0], [1], [0, 0, 1, 1], [], []>, transpose_lhs_hint = false} : vector<256x8xf32>, vector<8x1024xf32>, vector<256x1024xf32> -> vector<256x1024xf32>
    %get3A_29 = arith.constant 0 : index
    %get3A_30 = arith.constant 0 : index
    %get3A_31 = vector.load %arg1[%get3A_29, %get3A_30] : memref<256x1024xf32, #tpu.memory_space<vmem>>, vector<256x1024xf32>
    %mul3A = vector.broadcast %broadcast_in_dim3A_16 : vector<256x1xf32> to vector<256x1024xf32>
    %mul3A_32 = arith.mulf %mul3A, %get3A_31 : vector<256x1024xf32>
    %add3A = arith.addf %dot_general3A_28, %mul3A_32 : vector<256x1024xf32>
    %get3A_33 = arith.constant 0 : index
    %get3A_34 = arith.constant 0 : index
    %get3A_35 = vector.load %arg2[%get3A_33, %get3A_34] : memref<256x1024xf32, #tpu.memory_space<vmem>>, vector<256x1024xf32>
    %mul3A_36 = vector.broadcast %broadcast_in_dim3A_24 : vector<256x1xf32> to vector<256x1024xf32>
    %mul3A_37 = arith.mulf %mul3A_36, %get3A_35 : vector<256x1024xf32>
    %add3A_38 = arith.addf %add3A, %mul3A_37 : vector<256x1024xf32>
    %swap3A = arith.constant 0 : index
    %swap3A_39 = arith.constant 0 : index
    %swap3A_40 = vector.load %arg5[%swap3A, %swap3A_39] : memref<256x1024xf32, #tpu.memory_space<vmem>>, vector<256x1024xf32>
    tpu.vector_store %arg5[%swap3A, %swap3A_39], %add3A_38 {strides = array<i32>} : memref<256x1024xf32, #tpu.memory_space<vmem>>, vector<256x1024xf32>,
    return
  }
  func.func @transform_0(%arg0: i32) -> (i32, i32) {
    %c0_i32 = arith.constant 0 : i32
    %c0_i32_0 = arith.constant 0 : i32
    return %arg0, %c0_i32 : i32, i32
  }
  func.func @transform_1(%arg0: i32) -> (i32, i32) {
    %c0_i32 = arith.constant 0 : i32
    %c0_i32_0 = arith.constant 0 : i32
    return %arg0, %c0_i32 : i32, i32
  }
  func.func @transform_2(%arg0: i32) -> (i32, i32) {
    %c0_i32 = arith.constant 0 : i32
    %c0_i32_0 = arith.constant 0 : i32
    return %arg0, %c0_i32 : i32, i32
  }
  func.func @transform_3(%arg0: i32) -> (i32, i32) {
    %c0_i32 = arith.constant 0 : i32
    %c0_i32_0 = arith.constant 0 : i32
    %c0_i32_1 = arith.constant 0 : i32
    return %c0_i32, %c0_i32_0 : i32, i32
  }
  func.func @transform_4(%arg0: i32) -> (i32, i32) {
    %c0_i32 = arith.constant 0 : i32
    %c0_i32_0 = arith.constant 0 : i32
    return %arg0, %c0_i32 : i32, i32
  }
}

</mosaic_0001>

<sc_bundles>
// kernel: kernel.11.cloned.1.call-start
scs
__scs_entry_jumppad:
0x0: {  	(pc) =	sbr.rel $0x88, $3  }
0x1: {  	(tag) =	ssettag $0x0;
	lr =	simm.s32 $0x1  }
0x2: {  	[smem:$0x3F9C] =	sst lr;
	_ =	strace $0xD0000000  }
0x3: {  	_ = 	snop  }
0x4: {  	_ = 	snop  }
0x5: {  	_ = 	snop  }
0x6: {  	_ = 	snop  }
0x7: {  	_ = 	snop  }
__scs_overlays_trampoline_lowered:
0x8: {  	[smem:$0x3FAB] =	sst s0  }
0x9: {  	[smem:$0x3FAC] =	sst s1  }
0xa: {  	[smem:$0x3FAD] =	sst s2  }
0xb: {  	[smem:$0x3FAE] =	sst s3  }
0xc: {  	[smem:$0x3FAF] =	sst s4  }
0xd: {  	[smem:$0x3FB0] =	sst s5  }
0xe: {  	[smem:$0x3FB1] =	sst s6  }
0xf: {  	[smem:$0x3FB2] =	sst s7  }
0x10: {  	[smem:$0x3FB3] =	sst s8  }
0x11: {  	[smem:$0x3FB4] =	sst s9;
	s0 =	simm.s32 @!p0 $0x0  }
0x12: {  	s1 =	sld [smem:$0x3F9A];
	s0 =	simm.s32 @p0 $0x1  }
0x13: {  	[smem:$0x3FB5] =	sst s0;
	s0 =	simm.s32 @!p1 $0x0  }
0x14: {  	s2 =	sld [smem:$0x3F99];
	s0 =	simm.s32 @p1 $0x1  }
0x15: {  	[smem:$0x3FB6] =	sst s0;
	s0 =	simm.s32 @!p2 $0x0  }
0x16: {  	s3 =	sld [smem:$0x3FDB];
	s0 =	simm.s32 @p2 $0x1  }
0x17: {  	s4 =	simm.s32 $0x1BF5;
	[smem:$0x3FB8] =	sst s0  }
0x18: {  	s0 =	sld [smem:$0x3F9B];
	_ =	swait.ge [sflag:s4], $0x0  }
0x19: {  	s7 =	sld [smem:$0x3F9C]  }
0x1a: {  	s8 =	sadd.s32 $0xFFFFE003, lr  }
0x1b: {  	s9 =	sadd.s32 $0xFFFFFEF7, lr;
	s5 =	simm.s32 $0xFFFFFFFF;
	p2 =	slt.u32 s8, $0xFFFFF086  }
0x1c: {  	p1 =	slt.u32 s9, $0xF7A;
	s5 =	simm.s32 @!p2 $0x0  }
0x1d: {  	s5 =	simm.s32 @p1 $0x1;
	p0 =	seq.s32 s7, s2  }
0x1e: {  	s7 =	smul.u32 @!p0 $0xF7A, s2;
	p2 =	seq.s32 @!p0 s5, $0x0  }
0x1f: {  	s9 =	smul.u32 $0xF7A, s1;
	s8 =	simm.s32 @!p0 $0x1BF5;
	p2 =	por !p2, p0  }
0x20: {  	[sflag:s8] =	ssyncset.s32 @!p0 $0xFFFFF086;
	s6 =	sadd.s32 @!p0 s3, s7;
	s7 =	simm.s32 @!p0 $0x108  }
0x21: {  	s3 =	sadd.s32 s3, s9;
	s6 =	sadd.s32 @!p0 $0x88, s6;
	s7 =	simm.s32 @p2 $0x1082  }
0x22: {  	[simem:s7], [sflag:s8] =	dma.local @!p0 [hbm:s6], $0xF7A  }
0x23: {  	s9 =	sor.u32 $0xD0000000, s2;
	s6 =	simm.s32 $0x108;
	_ =	swait.ge @!p0 [sflag:s8], $0x0  }
0x24: {  	s3 =	sadd.s32 $0x88, s3;
	s6 =	simm.s32 @!p1 $0x1082;
	[sflag:s4] =	ssyncset.s32 $0xFFFFF086  }
0x25: {  	[simem:s6], [sflag:s4] =	dma.local [hbm:s3], $0xF7A  }
0x26: {  	[smem:$0x3F9C] =	sst s1;
	(tag) =	ssettag s2;
	_ =	strace s9  }
0x27: {  	s1 =	sld [smem:$0x3FAC]  }
0x28: {  	s2 =	sld [smem:$0x3FAD]  }
0x29: {  	s4 =	sld [smem:$0x3FAF]  }
0x2a: {  	p0 =	seq.s32 s5, $0x0;
	s5 =	sld [smem:$0x3FB0]  }
0x2b: {  	s6 =	sld [smem:$0x3FB1]  }
0x2c: {  	s7 =	sld [smem:$0x3FB2]  }
0x2d: {  	s3 =	simm.s32 $0x108;
	s8 =	sld [smem:$0x3FB3]  }
0x2e: {  	s3 =	simm.s32 @!p0 $0x1082;
	s9 =	sld [smem:$0x3FB4]  }
0x2f: {  	lr =	sadd.s32 s0, s3;
	s0 =	sld [smem:$0x3FAB]  }
0x30: {  	s3 =	sld [smem:$0x3FAE]  }
0x31: {  	[smem:$0x3FB7] =	sst s10  }
0x32: {  	s10 =	sld [smem:$0x3FB5];
	_ =	sdelay $0x3  }
0x33: {  	p0 =	seq.s32 s10, $0x1;
	s10 =	sld [smem:$0x3FB7];
	_ =	sdelay $0x3  }
0x34: {  	[smem:$0x3FB7] =	sst s10  }
0x35: {  	s10 =	sld [smem:$0x3FB6];
	_ =	sdelay $0x3  }
0x36: {  	p1 =	seq.s32 s10, $0x1;
	s10 =	sld [smem:$0x3FB7];
	_ =	sdelay $0x3  }
0x37: {  	[smem:$0x3FB7] =	sst s10  }
0x38: {  	s10 =	sld [smem:$0x3FB8]  }
0x39: {  	_ = 	snop;
	(pc) =	sbr.ind lr, $3  }
0x3a: {  	_ = 	snop  }
0x3b: {  	_ = 	snop  }
0x3c: {  	p2 =	seq.s32 s10, $0x1;
	s10 =	sld [smem:$0x3FB7]  }
0x3d: {  	_ =	shalt  }
0x3e: {  	_ =	shalt  }
0x3f: {  	_ =	shalt  }
0x40: {  	_ =	shalt  }
0x41: {  	_ =	shalt  }
0x42: {  	_ =	shalt  }
0x43: {  	_ =	shalt  }
0x44: {  	_ =	shalt  }
0x45: {  	_ =	shalt  }
0x46: {  	_ =	shalt  }
0x47: {  	_ =	shalt  }
0x48: {  	_ =	shalt  }
0x49: {  	_ =	shalt  }
0x4a: {  	_ =	shalt  }
0x4b: {  	_ =	shalt  }
0x4c: {  	_ =	shalt  }
0x4d: {  	_ =	shalt  }
0x4e: {  	_ =	shalt  }
0x4f: {  	_ =	shalt  }
0x50: {  	_ =	shalt  }
0x51: {  	_ =	shalt  }
0x52: {  	_ =	shalt  }
0x53: {  	_ =	shalt  }
0x54: {  	_ =	shalt  }
0x55: {  	_ =	shalt  }
0x56: {  	_ =	shalt  }
0x57: {  	_ =	shalt  }
0x58: {  	_ =	shalt  }
0x59: {  	_ =	shalt  }
0x5a: {  	_ =	shalt  }
0x5b: {  	_ =	shalt  }
0x5c: {  	_ =	shalt  }
0x5d: {  	_ =	shalt  }
0x5e: {  	_ =	shalt  }
0x5f: {  	_ =	shalt  }
0x60: {  	_ =	shalt  }
0x61: {  	_ =	shalt  }
0x62: {  	_ =	shalt  }
0x63: {  	_ =	shalt  }
0x64: {  	_ =	shalt  }
0x65: {  	_ =	shalt  }
0x66: {  	_ =	shalt  }
0x67: {  	_ =	shalt  }
0x68: {  	_ =	shalt  }
0x69: {  	_ =	shalt  }
0x6a: {  	_ =	shalt  }
0x6b: {  	_ =	shalt  }
0x6c: {  	_ =	shalt  }
0x6d: {  	_ =	shalt  }
0x6e: {  	_ =	shalt  }
0x6f: {  	_ =	shalt  }
0x70: {  	_ =	shalt  }
0x71: {  	_ =	shalt  }
0x72: {  	_ =	shalt  }
0x73: {  	_ =	shalt  }
0x74: {  	_ =	shalt  }
0x75: {  	_ =	shalt  }
0x76: {  	_ =	shalt  }
0x77: {  	_ =	shalt  }
0x78: {  	_ =	shalt  }
0x79: {  	_ =	shalt  }
0x7a: {  	_ =	shalt  }
0x7b: {  	_ =	shalt  }
0x7c: {  	_ =	shalt  }
0x7d: {  	_ =	shalt  }
0x7e: {  	_ =	shalt  }
0x7f: {  	_ =	shalt  }
0x80: {  	_ =	shalt  }
0x81: {  	_ =	shalt  }
0x82: {  	_ =	shalt  }
0x83: {  	_ =	shalt  }
0x84: {  	_ =	shalt  }
0x85: {  	_ =	shalt  }
0x86: {  	_ =	shalt  }
0x87: {  	_ =	shalt  }
.Lfunc_end0:
.L_simem_size_0:
called_computation.1_lowered:
.L_overlay_start_0:
0x88: {  	s2 =	sld [smem:$0x3FD9]  }
0x89: {  	s3 =	sld [smem:$0x3FFE];
	_ =	sdelay $0x1  }
0x8a: {  	s1 =	srdreg.scid  }
0x8b: {  	s0 =	sand.u32 $0x1, s1  }
0x8c: {  	s17 =	sshll.u32 s0, $0xA;
	s2 =	sadd.s32 s3, s2  }
0x8d: {  	s2 =	sadd.s32 s2, s17  }
0x8e: {  	[smem:$0x3FC3] =	sst s2  }
0x8f: {  	_ = 	snop  }
0x90: {  	s2 =	sld [smem:$0x3FD0];
	(tm) =	ssettm $0x1  }
0x91: {  	s18 =	sld [smem:$0x3FFB];
	_ =	sdelay $0x3  }
0x92: {  	_ =	strace s18  }
0x93: {  	s3 =	sld [smem:$0x3FFC];
	_ =	sdelay $0x3  }
0x94: {  	_ =	strace s3  }
0x95: {  	s3 =	sld [smem:$0x3FFD];
	_ =	sdelay $0x3  }
0x96: {  	_ =	strace s3  }
0x97: {  	_ =	strace $0x8FFFFFFF  }
0x98: {  	s19 =	sld [smem:$0x3FDB];
	_ =	sdelay $0x1  }
0x99: {  	s4 =	simm.s32 $_scs_section_size  }
0x9a: {  	s5 =	simm.s32 $_size__tile_overlayer_lowered;
	s6 =	simm.s32 $_tile_overlayer_lowered  }
0x9b: {  	s22 =	simm.s32 $0x1BFF;
	s21 =	sshll.u32 s6, $0x1;
	s3 =	sadd.s32 s4, s19  }
0x9c: {  	s7 =	simm.s32 $0x0;
	s20 =	sshll.u32 s5, $0x1;
	s5 =	sadd.s32 s21, s3  }
0x9d: {  	[timem:s7], [sflag:s22] =	dma.local [hbm:s5], s20  }
0x9e: {  	_ =	swait.ge [sflag:s22], s20  }
0x9f: {  	s4 =	ssub.s32 $0x0, s20;
	[sflag:s22] =	ssyncset.done $0x0  }
0xa0: {  	[sflag:s22] =	ssyncadd.s32 s4;
	_ =	sdelay $0x1  }
0xa1: {  	s23 =	simm.s32 $0x1B8B  }
0xa2: {  	_ =	swait.ge [sflag:s23], $0x1  }
0xa3: {  	[sflag:s23] =	ssyncset.done $0x0  }
0xa4: {  	s25 =	simm.s32 $0x1B8E;
	s24 =	sld [smem:$0x3FFE];
	[sflag:s23] =	ssyncadd.s32 $0xFFFFFFFF  }
0xa5: {  	s26 =	simm.s32 $execute0_lowered;
	[smem:$0x3FD2] =	sst s25  }
0xa6: {  	s5 =	sshll.u32 s26, $0x1;
	_ =	strace $0x80000049;
	[dreg:$0x1] =	wrdreg $0xFFFFFFFF  }
0xa7: {  	s28 =	simm.s32 $_size_execute0_lowered;
	s3 =	sadd.s32 s3, s5;
	[dreg:$0x0] =	wrdreg $0x0  }
0xa8: {  	s5 =	sshll.u32 s28, $0x1;
	[dreg:$0x2] =	wrdreg s3  }
0xa9: {  	[dreg:$0x3] =	wrdreg s5  }
0xaa: {  	[dreg:$0x4] =	wrdreg $0xC0  }
0xab: {  	_ =	task [dreg:s7], $0x5FFFF  }
0xac: {  	[dreg:$0x1] =	wrdreg $0xFFFFFFFF  }
0xad: {  	[dreg:$0x0] =	wrdreg $0x60  }
0xae: {  	[dreg:$0x2] =	wrdreg s24  }
0xaf: {  	[dreg:$0x3] =	wrdreg s2  }
0xb0: {  	[dreg:$0x4] =	wrdreg $0x9  }
0xb1: {  	_ =	task.clear_ibuf [dreg:s7], $0x5FFFF;
	_ =	strace $0x90000049  }
0xb2: {  	s29 =	simm.s32 $0x9;
	_ =	strace $0x8000004B  }
0xb3: {  	_ =	swait.ge [sflag:s29], $0x1  }
0xb4: {  	[sflag:s29] =	ssyncadd.s32 $0xFFFFFFFF  }
0xb5: {  	_ =	strace $0x9000004B  }
0xb6: {  	_ =	sfence  }
0xb7: {  	s30 =	sld [smem:$0x0];
	_ =	sdelay $0x2  }
0xb8: {  	s31 =	sshll.u32 s1, $0xD;
	s1 =	sshrl.u32 s1, $0x2  }
0xb9: {  	s3 =	sand.u32 $0x4000, s31;
	s1 =	sadd.s32 s1, s30  }
0xba: {  	s0 =	sor.u32 s3, s0;
	s1 =	sshll.u32 s1, $0x11  }
0xbb: {  	s0 =	sor.u32 s1, s0  }
0xbc: {  	s0 =	sadd.s32 $0x8F2B, s0  }
0xbd: {  	[sflag:s0] =	ssyncadd.remote.s32 $0x1  }
0xbe: {  	_ =	sfence.sel $0xFFFF  }
0xbf: {  	[dreg:$0x0] =	wrdreg $0xFFFFFFFF;
	(pc) =	sbr.abs _section_cstart, $3  }
0xc0: {  	[dreg:$0x1] =	wrdreg $0xFFFFFFFF  }
0xc1: {  	_ =	task.clear_ibuf [dreg:s7], $0x2FFFF;
	_ =	strace $0x9FFFFFFF  }
0xc2: {  	(tm) =	ssettm $0x7FFFFFFF  }
0xc3: {  	_ =	shalt  }
tec
execute0_lowered:
.L_overlay_start_1:
0x0: {  	(tag) =	ssettag $0x1  }
0x1: {  	s0 =	rddreg [dreg:$0x0]  }
0x2: {  	s1 =	rddreg [dreg:$0x1];
	s2 =	simm.s32 $0x0;
	s3 =	srdreg.scid  }
0x3: {  	s5 =	stileid.u32;
	s23 =	simm.s32 $0x80;
	s18 =	simm.s32 $0x1  }
0x4: {  	[smem:$0x7FF] =	sst s2;
	s4 =	sand.u32 $0x1, s3;
	s3 =	sadd.s32 $0x141000, s0  }
0x5: {  	s5 =	sshll.u32 s5, $0x8;
	s7 =	sadd.s32 $0xC00, s0;
	s6 =	sshll.u32 s4, $0x7  }
0x6: {  	s8 =	sadd.s32 $0xE00, s0;
	s9 =	sadd.s32 $0x1000, s0;
	s5 =	sor.u32 s6, s5  }
0x7: {  	_ =	strace $0x8000004A;
	s4 =	ssub.s32 $0x2, s4;
	s6 =	sshrl.u32 s5, $0x3  }
0x8: {  	s10 =	sshrl.u32 s4, $0x1;
	s12 =	sshll.u32 s5, $0x7;
	s11 =	sadd.s32 s7, s6  }
0x9: {  	s10 =	ssub.s32 s4, s10;
	s24 =	sadd.s32 s1, s12;
	[dreg:$0x3] =	wrdreg s11  }
0xa: {  	s5 =	sor.u32 $0x40, s5;
	s25 =	sadd.s32 s8, s6;
	[dreg:$0x4] =	wrdreg s24  }
0xb: {  	s26 =	sadd.s32 s9, s12;
	s28 =	sshrl.u32 s5, $0x3;
	[dreg:$0x5] =	wrdreg s25  }
0xc: {  	s29 =	sshll.u32 s5, $0x7;
	[dreg:$0x6] =	wrdreg s26;
	s7 =	sadd.s32 s7, s28  }
0xd: {  	s4 =	sadd.s32 $0x141100, s0;
	s1 =	sadd.s32 s1, s29;
	[dreg:$0x7] =	wrdreg s7  }
0xe: {  	v2 =	vlaneseq.u32;
	s5 =	sadd.s32 $0x141200, s0;
	s30 =	sadd.s32 s8, s28;
	[dreg:$0x8] =	wrdreg s1  }
0xf: {  	vm0 =	vmmov $0xffff;
	v1 =	vshrl.u32 v2, $0x3;
	s6 =	sadd.s32 $0x141300, s0;
	s31 =	sadd.s32 s9, s29;
	[dreg:$0x9] =	wrdreg s30  }
0x10: {  	v0 =	vand.u32 $0x7, v2;
	v2 =	vor.u32 $0x8, v2;
	v1 =	vmul.u32 $0x8, v1;
	s8 =	simm.s32 $0x2;
	[dreg:$0xa] =	wrdreg s31;
	s7 =	smax.u32 s10, $0x1  }
.LBB2_1:
0x11: {  	s19 =	rddreg [dreg:$0x3]  }
0x12: {  	[tilespmem:s2], [sflag:$0x2] =	stream.linear.gather [hbm4b:s19+s2], $0x40, $0x38;
	[tilespmem:$0x10080] =	vst v63  }
0x13: {  	_ =	swait.ge [sflag:s8], $0x40  }
0x14: {  	[sflag:s8] =	ssyncset.done $0x0  }
0x15: {  	[sflag:s8] =	ssyncadd.s32 $0xFFFFFFC0  }
0x16: {  	v3 =	vld [tilespmem:$0x0];
	_ =	sdelay $0x4  }
0x17: {  	v4 =	vshll.u32 v3, $0x3  }
0x18: {  	v3 =	vand.u32 $0x7, v3;
	v4 =	vand.u32 $0xFFFFFFC0, v4  }
0x19: {  	v3 =	vor.u32 v3, v4  }
0x1a: {  	v4 =	vperm.xlane v3, v0;
	_ =	sdelay $0x1  }
0x1b: {  	v4 =	vadd.s32 v1, v4;
	_ =	sdelay $0x4  }
0x1c: {  	[tilespmem:s23], [sflag:$0x1] =	stream.indirect_vreg.gather [hbm4b:s3+s2], $0x80, v4, vm0, $0xb8;
	[tilespmem:$0x10080] =	vst v63  }
0x1d: {  	s0 =	simm.s32 $0x880;
	v3 =	vperm.xlane v3, v2  }
0x1e: {  	[tilespmem:s0], [sflag:$0x1] =	stream.indirect_vreg.gather [hbm4b:s4+s2], $0x80, v4, vm0, $0xb8;
	[tilespmem:$0x10080] =	vst v63  }
0x1f: {  	s12 =	simm.s32 $0x1080;
	v3 =	vadd.s32 v1, v3  }
0x20: {  	[tilespmem:s12], [sflag:$0x1] =	stream.indirect_vreg.gather [hbm4b:s5+s2], $0x80, v4, vm0, $0xb8;
	[tilespmem:$0x10080] =	vst v63  }
0x21: {  	s13 =	simm.s32 $0x1880  }
0x22: {  	[tilespmem:s13], [sflag:$0x1] =	stream.indirect_vreg.gather [hbm4b:s6+s2], $0x80, v4, vm0, $0xb8;
	[tilespmem:$0x10080] =	vst v63  }
0x23: {  	s15 =	simm.s32 $0x2080  }
0x24: {  	[tilespmem:s15], [sflag:$0x1] =	stream.indirect_vreg.gather [hbm4b:s3+s2], $0x80, v3, vm0, $0xb8;
	[tilespmem:$0x10080] =	vst v63  }
0x25: {  	s16 =	simm.s32 $0x2880  }
0x26: {  	[tilespmem:s16], [sflag:$0x1] =	stream.indirect_vreg.gather [hbm4b:s4+s2], $0x80, v3, vm0, $0xb8;
	[tilespmem:$0x10080] =	vst v63  }
0x27: {  	s17 =	simm.s32 $0x3080  }
0x28: {  	[tilespmem:s17], [sflag:$0x1] =	stream.indirect_vreg.gather [hbm4b:s5+s2], $0x80, v3, vm0, $0xb8;
	[tilespmem:$0x10080] =	vst v63  }
0x29: {  	s19 =	simm.s32 $0x3880  }
0x2a: {  	[tilespmem:s19], [sflag:$0x1] =	stream.indirect_vreg.gather [hbm4b:s6+s2], $0x80, v3, vm0, $0xb8;
	[tilespmem:$0x10080] =	vst v63  }
0x2b: {  	v3 =	vld [tilespmem:$0x10];
	_ =	sdelay $0x4  }
0x2c: {  	v49 =	vshll.u32 v3, $0x3  }
0x2d: {  	v3 =	vand.u32 $0x7, v3;
	v4 =	vand.u32 $0xFFFFFFC0, v49  }
0x2e: {  	v3 =	vor.u32 v3, v4  }
0x2f: {  	v4 =	vperm.xlane v3, v0;
	_ =	sdelay $0x1  }
0x30: {  	v4 =	vadd.s32 v1, v4;
	_ =	sdelay $0x3  }
0x31: {  	s20 =	simm.s32 $0x4080  }
0x32: {  	[tilespmem:s20], [sflag:$0x1] =	stream.indirect_vreg.gather [hbm4b:s3+s2], $0x80, v4, vm0, $0xb8;
	[tilespmem:$0x10080] =	vst v63  }
0x33: {  	s21 =	simm.s32 $0x4880;
	v3 =	vperm.xlane v3, v2  }
0x34: {  	[tilespmem:s21], [sflag:$0x1] =	stream.indirect_vreg.gather [hbm4b:s4+s2], $0x80, v4, vm0, $0xb8;
	[tilespmem:$0x10080] =	vst v63  }
0x35: {  	s22 =	simm.s32 $0x5080;
	v3 =	vadd.s32 v1, v3  }
0x36: {  	[tilespmem:s22], [sflag:$0x1] =	stream.indirect_vreg.gather [hbm4b:s5+s2], $0x80, v4, vm0, $0xb8;
	[tilespmem:$0x10080] =	vst v63  }
0x37: {  	s24 =	simm.s32 $0x5880  }
0x38: {  	[tilespmem:s24], [sflag:$0x1] =	stream.indirect_vreg.gather [hbm4b:s6+s2], $0x80, v4, vm0, $0xb8;
	[tilespmem:$0x10080] =	vst v63  }
0x39: {  	s25 =	simm.s32 $0x6080  }
0x3a: {  	[tilespmem:s25], [sflag:$0x1] =	stream.indirect_vreg.gather [hbm4b:s3+s2], $0x80, v3, vm0, $0xb8;
	[tilespmem:$0x10080] =	vst v63  }
0x3b: {  	s26 =	simm.s32 $0x6880  }
0x3c: {  	[tilespmem:s26], [sflag:$0x1] =	stream.indirect_vreg.gather [hbm4b:s4+s2], $0x80, v3, vm0, $0xb8;
	[tilespmem:$0x10080] =	vst v63  }
0x3d: {  	s28 =	simm.s32 $0x7080  }
0x3e: {  	[tilespmem:s28], [sflag:$0x1] =	stream.indirect_vreg.gather [hbm4b:s5+s2], $0x80, v3, vm0, $0xb8;
	[tilespmem:$0x10080] =	vst v63  }
0x3f: {  	s29 =	simm.s32 $0x7880  }
0x40: {  	[tilespmem:s29], [sflag:$0x1] =	stream.indirect_vreg.gather [hbm4b:s6+s2], $0x80, v3, vm0, $0xb8;
	[tilespmem:$0x10080] =	vst v63  }
0x41: {  	v3 =	vld [tilespmem:$0x20];
	_ =	sdelay $0x4  }
0x42: {  	v50 =	vshll.u32 v3, $0x3  }
0x43: {  	v3 =	vand.u32 $0x7, v3;
	v4 =	vand.u32 $0xFFFFFFC0, v50  }
0x44: {  	v3 =	vor.u32 v3, v4  }
0x45: {  	v4 =	vperm.xlane v3, v0;
	_ =	sdelay $0x1  }
0x46: {  	v4 =	vadd.s32 v1, v4;
	_ =	sdelay $0x3  }
0x47: {  	s30 =	simm.s32 $0x8080  }
0x48: {  	[tilespmem:s30], [sflag:$0x1] =	stream.indirect_vreg.gather [hbm4b:s3+s2], $0x80, v4, vm0, $0xb8;
	[tilespmem:$0x10080] =	vst v63  }
0x49: {  	s16 =	simm.s32 $0x8880;
	v3 =	vperm.xlane v3, v2  }
0x4a: {  	[tilespmem:s16], [sflag:$0x1] =	stream.indirect_vreg.gather [hbm4b:s4+s2], $0x80, v4, vm0, $0xb8;
	[tilespmem:$0x10080] =	vst v63  }
0x4b: {  	s17 =	simm.s32 $0x9080;
	v3 =	vadd.s32 v1, v3  }
0x4c: {  	[tilespmem:s17], [sflag:$0x1] =	stream.indirect_vreg.gather [hbm4b:s5+s2], $0x80, v4, vm0, $0xb8;
	[tilespmem:$0x10080] =	vst v63  }
0x4d: {  	s19 =	simm.s32 $0x9880  }
0x4e: {  	[tilespmem:s19], [sflag:$0x1] =	stream.indirect_vreg.gather [hbm4b:s6+s2], $0x80, v4, vm0, $0xb8;
	[tilespmem:$0x10080] =	vst v63  }
0x4f: {  	s20 =	simm.s32 $0xA080  }
0x50: {  	[tilespmem:s20], [sflag:$0x1] =	stream.indirect_vreg.gather [hbm4b:s3+s2], $0x80, v3, vm0, $0xb8;
	[tilespmem:$0x10080] =	vst v63  }
0x51: {  	s21 =	simm.s32 $0xA880  }
0x52: {  	[tilespmem:s21], [sflag:$0x1] =	stream.indirect_vreg.gather [hbm4b:s4+s2], $0x80, v3, vm0, $0xb8;
	[tilespmem:$0x10080] =	vst v63  }
0x53: {  	s22 =	simm.s32 $0xB080  }
0x54: {  	[tilespmem:s22], [sflag:$0x1] =	stream.indirect_vreg.gather [hbm4b:s5+s2], $0x80, v3, vm0, $0xb8;
	[tilespmem:$0x10080] =	vst v63  }
0x55: {  	s24 =	simm.s32 $0xB880  }
0x56: {  	[tilespmem:s24], [sflag:$0x1] =	stream.indirect_vreg.gather [hbm4b:s6+s2], $0x80, v3, vm0, $0xb8;
	[tilespmem:$0x10080] =	vst v63  }
0x57: {  	v3 =	vld [tilespmem:$0x30];
	_ =	sdelay $0x4  }
0x58: {  	v51 =	vshll.u32 v3, $0x3  }
0x59: {  	v3 =	vand.u32 $0x7, v3;
	v4 =	vand.u32 $0xFFFFFFC0, v51  }
0x5a: {  	v3 =	vor.u32 v3, v4  }
0x5b: {  	v4 =	vperm.xlane v3, v0;
	_ =	sdelay $0x1  }
0x5c: {  	v4 =	vadd.s32 v1, v4;
	_ =	sdelay $0x3  }
0x5d: {  	s25 =	simm.s32 $0xC080  }
0x5e: {  	[tilespmem:s25], [sflag:$0x1] =	stream.indirect_vreg.gather [hbm4b:s3+s2], $0x80, v4, vm0, $0xb8;
	[tilespmem:$0x10080] =	vst v63  }
0x5f: {  	s26 =	simm.s32 $0xC880;
	v3 =	vperm.xlane v3, v2  }
0x60: {  	[tilespmem:s26], [sflag:$0x1] =	stream.indirect_vreg.gather [hbm4b:s4+s2], $0x80, v4, vm0, $0xb8;
	[tilespmem:$0x10080] =	vst v63  }
0x61: {  	s29 =	simm.s32 $0xD080;
	v3 =	vadd.s32 v1, v3  }
0x62: {  	[tilespmem:s29], [sflag:$0x1] =	stream.indirect_vreg.gather [hbm4b:s5+s2], $0x80, v4, vm0, $0xb8;
	[tilespmem:$0x10080] =	vst v63  }
0x63: {  	s0 =	simm.s32 $0xD880  }
0x64: {  	[tilespmem:s0], [sflag:$0x1] =	stream.indirect_vreg.gather [hbm4b:s6+s2], $0x80, v4, vm0, $0xb8;
	[tilespmem:$0x10080] =	vst v63  }
0x65: {  	s16 =	simm.s32 $0xE080  }
0x66: {  	[tilespmem:s16], [sflag:$0x1] =	stream.indirect_vreg.gather [hbm4b:s3+s2], $0x80, v3, vm0, $0xb8;
	[tilespmem:$0x10080] =	vst v63  }
0x67: {  	s17 =	simm.s32 $0xE880  }
0x68: {  	[tilespmem:s17], [sflag:$0x1] =	stream.indirect_vreg.gather [hbm4b:s4+s2], $0x80, v3, vm0, $0xb8;
	[tilespmem:$0x10080] =	vst v63  }
0x69: {  	s24 =	simm.s32 $0xF080  }
0x6a: {  	[tilespmem:s24], [sflag:$0x1] =	stream.indirect_vreg.gather [hbm4b:s5+s2], $0x80, v3, vm0, $0xb8;
	[tilespmem:$0x10080] =	vst v63  }
0x6b: {  	s25 =	simm.s32 $0xF880  }
0x6c: {  	[tilespmem:s25], [sflag:$0x1] =	stream.indirect_vreg.gather [hbm4b:s6+s2], $0x80, v3, vm0, $0xb8;
	[tilespmem:$0x10080] =	vst v63  }
0x6d: {  	_ =	swait.ge [sflag:s18], $0x10000  }
0x6e: {  	[sflag:s18] =	ssyncset.done $0x0  }
0x6f: {  	s0 =	rddreg [dreg:$0x4];
	[sflag:s18] =	ssyncadd.s32 $0xFFFF0000  }
0x70: {  	[hbm4b:s0+s2] =	stream.linear.scatter [tilespmem:s23], [sflag:$0x2], $0x10000, $0x38;
	[tilespmem:$0x10080] =	vst v63  }
0x71: {  	_ =	swait.ge [sflag:s8], $0x10000  }
0x72: {  	[sflag:s8] =	ssyncset.done $0x0  }
0x73: {  	s16 =	rddreg [dreg:$0x5];
	[sflag:s8] =	ssyncadd.s32 $0xFFFF0000  }
0x74: {  	[tilespmem:s2], [sflag:$0x2] =	stream.linear.gather [hbm4b:s16+s2], $0x40, $0x38;
	[tilespmem:$0x10080] =	vst v63  }
0x75: {  	_ =	swait.ge [sflag:s8], $0x40  }
0x76: {  	[sflag:s8] =	ssyncset.done $0x0  }
0x77: {  	[sflag:s8] =	ssyncadd.s32 $0xFFFFFFC0  }
0x78: {  	v3 =	vld [tilespmem:$0x0];
	_ =	sdelay $0x4  }
0x79: {  	v52 =	vshll.u32 v3, $0x3  }
0x7a: {  	v3 =	vand.u32 $0x7, v3;
	v4 =	vand.u32 $0xFFFFFFC0, v52  }
0x7b: {  	v3 =	vor.u32 v3, v4  }
0x7c: {  	v4 =	vperm.xlane v3, v0;
	_ =	sdelay $0x1  }
0x7d: {  	v4 =	vadd.s32 v1, v4;
	_ =	sdelay $0x4  }
0x7e: {  	[tilespmem:s23], [sflag:$0x1] =	stream.indirect_vreg.gather [hbm4b:s3+s2], $0x80, v4, vm0, $0xb8;
	[tilespmem:$0x10080] =	vst v63  }
0x7f: {  	s14 =	simm.s32 $0x880;
	v3 =	vperm.xlane v3, v2  }
0x80: {  	[tilespmem:s14], [sflag:$0x1] =	stream.indirect_vreg.gather [hbm4b:s4+s2], $0x80, v4, vm0, $0xb8;
	[tilespmem:$0x10080] =	vst v63  }
0x81: {  	s1 =	simm.s32 $0x1080;
	v3 =	vadd.s32 v1, v3  }
0x82: {  	[tilespmem:s1], [sflag:$0x1] =	stream.indirect_vreg.gather [hbm4b:s5+s2], $0x80, v4, vm0, $0xb8;
	[tilespmem:$0x10080] =	vst v63  }
0x83: {  	s9 =	simm.s32 $0x1880  }
0x84: {  	[tilespmem:s9], [sflag:$0x1] =	stream.indirect_vreg.gather [hbm4b:s6+s2], $0x80, v4, vm0, $0xb8;
	[tilespmem:$0x10080] =	vst v63  }
0x85: {  	s10 =	simm.s32 $0x2080  }
0x86: {  	[tilespmem:s10], [sflag:$0x1] =	stream.indirect_vreg.gather [hbm4b:s3+s2], $0x80, v3, vm0, $0xb8;
	[tilespmem:$0x10080] =	vst v63  }
0x87: {  	s11 =	simm.s32 $0x2880  }
0x88: {  	[tilespmem:s11], [sflag:$0x1] =	stream.indirect_vreg.gather [hbm4b:s4+s2], $0x80, v3, vm0, $0xb8;
	[tilespmem:$0x10080] =	vst v63  }
0x89: {  	s12 =	simm.s32 $0x3080  }
0x8a: {  	[tilespmem:s12], [sflag:$0x1] =	stream.indirect_vreg.gather [hbm4b:s5+s2], $0x80, v3, vm0, $0xb8;
	[tilespmem:$0x10080] =	vst v63  }
0x8b: {  	s15 =	simm.s32 $0x3880  }
0x8c: {  	[tilespmem:s15], [sflag:$0x1] =	stream.indirect_vreg.gather [hbm4b:s6+s2], $0x80, v3, vm0, $0xb8;
	[tilespmem:$0x10080] =	vst v63  }
0x8d: {  	v3 =	vld [tilespmem:$0x10];
	_ =	sdelay $0x4  }
0x8e: {  	v53 =	vshll.u32 v3, $0x3  }
0x8f: {  	v3 =	vand.u32 $0x7, v3;
	v4 =	vand.u32 $0xFFFFFFC0, v53  }
0x90: {  	v3 =	vor.u32 v3, v4  }
0x91: {  	v4 =	vperm.xlane v3, v0;
	_ =	sdelay $0x1  }
0x92: {  	v4 =	vadd.s32 v1, v4;
	_ =	sdelay $0x3  }
0x93: {  	s16 =	simm.s32 $0x4080  }
0x94: {  	[tilespmem:s16], [sflag:$0x1] =	stream.indirect_vreg.gather [hbm4b:s3+s2], $0x80, v4, vm0, $0xb8;
	[tilespmem:$0x10080] =	vst v63  }
0x95: {  	s31 =	simm.s32 $0x4880;
	v3 =	vperm.xlane v3, v2  }
0x96: {  	[tilespmem:s31], [sflag:$0x1] =	stream.indirect_vreg.gather [hbm4b:s4+s2], $0x80, v4, vm0, $0xb8;
	[tilespmem:$0x10080] =	vst v63  }
0x97: {  	s13 =	simm.s32 $0x5080;
	v3 =	vadd.s32 v1, v3  }
0x98: {  	[tilespmem:s13], [sflag:$0x1] =	stream.indirect_vreg.gather [hbm4b:s5+s2], $0x80, v4, vm0, $0xb8;
	[tilespmem:$0x10080] =	vst v63  }
0x99: {  	s31 =	simm.s32 $0x5880  }
0x9a: {  	[tilespmem:s31], [sflag:$0x1] =	stream.indirect_vreg.gather [hbm4b:s6+s2], $0x80, v4, vm0, $0xb8;
	[tilespmem:$0x10080] =	vst v63  }
0x9b: {  	s0 =	simm.s32 $0x6080  }
0x9c: {  	[tilespmem:s0], [sflag:$0x1] =	stream.indirect_vreg.gather [hbm4b:s3+s2], $0x80, v3, vm0, $0xb8;
	[tilespmem:$0x10080] =	vst v63  }
0x9d: {  	s1 =	simm.s32 $0x6880  }
0x9e: {  	[tilespmem:s1], [sflag:$0x1] =	stream.indirect_vreg.gather [hbm4b:s4+s2], $0x80, v3, vm0, $0xb8;
	[tilespmem:$0x10080] =	vst v63  }
0x9f: {  	s9 =	simm.s32 $0x7080  }
0xa0: {  	[tilespmem:s9], [sflag:$0x1] =	stream.indirect_vreg.gather [hbm4b:s5+s2], $0x80, v3, vm0, $0xb8;
	[tilespmem:$0x10080] =	vst v63  }
0xa1: {  	s13 =	simm.s32 $0x7880  }
0xa2: {  	[tilespmem:s13], [sflag:$0x1] =	stream.indirect_vreg.gather [hbm4b:s6+s2], $0x80, v3, vm0, $0xb8;
	[tilespmem:$0x10080] =	vst v63  }
0xa3: {  	v3 =	vld [tilespmem:$0x20];
	_ =	sdelay $0x4  }
0xa4: {  	v54 =	vshll.u32 v3, $0x3  }
0xa5: {  	v3 =	vand.u32 $0x7, v3;
	v4 =	vand.u32 $0xFFFFFFC0, v54  }
0xa6: {  	v3 =	vor.u32 v3, v4  }
0xa7: {  	v4 =	vperm.xlane v3, v0;
	_ =	sdelay $0x1  }
0xa8: {  	v4 =	vadd.s32 v1, v4;
	_ =	sdelay $0x3  }
0xa9: {  	s14 =	simm.s32 $0x8080  }
0xaa: {  	[tilespmem:s14], [sflag:$0x1] =	stream.indirect_vreg.gather [hbm4b:s3+s2], $0x80, v4, vm0, $0xb8;
	[tilespmem:$0x10080] =	vst v63  }
0xab: {  	s15 =	simm.s32 $0x8880;
	v3 =	vperm.xlane v3, v2  }
0xac: {  	[tilespmem:s15], [sflag:$0x1] =	stream.indirect_vreg.gather [hbm4b:s4+s2], $0x80, v4, vm0, $0xb8;
	[tilespmem:$0x10080] =	vst v63  }
0xad: {  	s10 =	simm.s32 $0x9080;
	v3 =	vadd.s32 v1, v3  }
0xae: {  	[tilespmem:s10], [sflag:$0x1] =	stream.indirect_vreg.gather [hbm4b:s5+s2], $0x80, v4, vm0, $0xb8;
	[tilespmem:$0x10080] =	vst v63  }
0xaf: {  	s11 =	simm.s32 $0x9880  }
0xb0: {  	[tilespmem:s11], [sflag:$0x1] =	stream.indirect_vreg.gather [hbm4b:s6+s2], $0x80, v4, vm0, $0xb8;
	[tilespmem:$0x10080] =	vst v63  }
0xb1: {  	s12 =	simm.s32 $0xA080  }
0xb2: {  	[tilespmem:s12], [sflag:$0x1] =	stream.indirect_vreg.gather [hbm4b:s3+s2], $0x80, v3, vm0, $0xb8;
	[tilespmem:$0x10080] =	vst v63  }
0xb3: {  	s30 =	simm.s32 $0xA880  }
0xb4: {  	[tilespmem:s30], [sflag:$0x1] =	stream.indirect_vreg.gather [hbm4b:s4+s2], $0x80, v3, vm0, $0xb8;
	[tilespmem:$0x10080] =	vst v63  }
0xb5: {  	s28 =	simm.s32 $0xB080  }
0xb6: {  	[tilespmem:s28], [sflag:$0x1] =	stream.indirect_vreg.gather [hbm4b:s5+s2], $0x80, v3, vm0, $0xb8;
	[tilespmem:$0x10080] =	vst v63  }
0xb7: {  	s20 =	simm.s32 $0xB880  }
0xb8: {  	[tilespmem:s20], [sflag:$0x1] =	stream.indirect_vreg.gather [hbm4b:s6+s2], $0x80, v3, vm0, $0xb8;
	[tilespmem:$0x10080] =	vst v63  }
0xb9: {  	v3 =	vld [tilespmem:$0x30];
	_ =	sdelay $0x4  }
0xba: {  	v55 =	vshll.u32 v3, $0x3  }
0xbb: {  	v3 =	vand.u32 $0x7, v3;
	v4 =	vand.u32 $0xFFFFFFC0, v55  }
0xbc: {  	v3 =	vor.u32 v3, v4  }
0xbd: {  	v4 =	vperm.xlane v3, v0;
	_ =	sdelay $0x1  }
0xbe: {  	v4 =	vadd.s32 v1, v4;
	_ =	sdelay $0x3  }
0xbf: {  	s21 =	simm.s32 $0xC080  }
0xc0: {  	[tilespmem:s21], [sflag:$0x1] =	stream.indirect_vreg.gather [hbm4b:s3+s2], $0x80, v4, vm0, $0xb8;
	[tilespmem:$0x10080] =	vst v63  }
0xc1: {  	s22 =	simm.s32 $0xC880;
	v3 =	vperm.xlane v3, v2  }
0xc2: {  	[tilespmem:s22], [sflag:$0x1] =	stream.indirect_vreg.gather [hbm4b:s4+s2], $0x80, v4, vm0, $0xb8;
	[tilespmem:$0x10080] =	vst v63  }
0xc3: {  	v3 =	vadd.s32 v1, v3;
	s22 =	simm.s32 $0xD080  }
0xc4: {  	[tilespmem:s22], [sflag:$0x1] =	stream.indirect_vreg.gather [hbm4b:s5+s2], $0x80, v4, vm0, $0xb8;
	[tilespmem:$0x10080] =	vst v63  }
0xc5: {  	s26 =	simm.s32 $0xD880  }
0xc6: {  	[tilespmem:s26], [sflag:$0x1] =	stream.indirect_vreg.gather [hbm4b:s6+s2], $0x80, v4, vm0, $0xb8;
	[tilespmem:$0x10080] =	vst v63  }
0xc7: {  	s29 =	simm.s32 $0xE080  }
0xc8: {  	[tilespmem:s29], [sflag:$0x1] =	stream.indirect_vreg.gather [hbm4b:s3+s2], $0x80, v3, vm0, $0xb8;
	[tilespmem:$0x10080] =	vst v63  }
0xc9: {  	s26 =	simm.s32 $0xE880  }
0xca: {  	[tilespmem:s26], [sflag:$0x1] =	stream.indirect_vreg.gather [hbm4b:s4+s2], $0x80, v3, vm0, $0xb8;
	[tilespmem:$0x10080] =	vst v63  }
0xcb: {  	s30 =	simm.s32 $0xF080  }
0xcc: {  	[tilespmem:s30], [sflag:$0x1] =	stream.indirect_vreg.gather [hbm4b:s5+s2], $0x80, v3, vm0, $0xb8;
	[tilespmem:$0x10080] =	vst v63  }
0xcd: {  	s17 =	simm.s32 $0xF880  }
0xce: {  	[tilespmem:s17], [sflag:$0x1] =	stream.indirect_vreg.gather [hbm4b:s6+s2], $0x80, v3, vm0, $0xb8;
	[tilespmem:$0x10080] =	vst v63  }
0xcf: {  	_ =	swait.ge [sflag:s18], $0x10000  }
0xd0: {  	[sflag:s18] =	ssyncset.done $0x0  }
0xd1: {  	s21 =	rddreg [dreg:$0x6];
	[sflag:s18] =	ssyncadd.s32 $0xFFFF0000  }
0xd2: {  	[hbm4b:s21+s2] =	stream.linear.scatter [tilespmem:s23], [sflag:$0x2], $0x10000, $0x38;
	[tilespmem:$0x10080] =	vst v63  }
0xd3: {  	_ =	swait.ge [sflag:s8], $0x10000  }
0xd4: {  	[sflag:s8] =	ssyncset.done $0x0  }
0xd5: {  	s17 =	rddreg [dreg:$0x7];
	[sflag:s8] =	ssyncadd.s32 $0xFFFF0000  }
0xd6: {  	[tilespmem:s2], [sflag:$0x2] =	stream.linear.gather [hbm4b:s17+s2], $0x40, $0x38;
	[tilespmem:$0x10080] =	vst v63  }
0xd7: {  	_ =	swait.ge [sflag:s8], $0x40  }
0xd8: {  	[sflag:s8] =	ssyncset.done $0x0  }
0xd9: {  	[sflag:s8] =	ssyncadd.s32 $0xFFFFFFC0  }
0xda: {  	v3 =	vld [tilespmem:$0x0];
	_ =	sdelay $0x4  }
0xdb: {  	v56 =	vshll.u32 v3, $0x3  }
0xdc: {  	v3 =	vand.u32 $0x7, v3;
	v4 =	vand.u32 $0xFFFFFFC0, v56  }
0xdd: {  	v3 =	vor.u32 v3, v4  }
0xde: {  	v4 =	vperm.xlane v3, v0;
	_ =	sdelay $0x1  }
0xdf: {  	v4 =	vadd.s32 v1, v4;
	_ =	sdelay $0x4  }
0xe0: {  	[tilespmem:s23], [sflag:$0x1] =	stream.indirect_vreg.gather [hbm4b:s3+s2], $0x80, v4, vm0, $0xb8;
	[tilespmem:$0x10080] =	vst v63  }
0xe1: {  	s21 =	simm.s32 $0x880;
	v3 =	vperm.xlane v3, v2  }
0xe2: {  	[tilespmem:s21], [sflag:$0x1] =	stream.indirect_vreg.gather [hbm4b:s4+s2], $0x80, v4, vm0, $0xb8;
	[tilespmem:$0x10080] =	vst v63  }
0xe3: {  	s25 =	simm.s32 $0x1080;
	v3 =	vadd.s32 v1, v3  }
0xe4: {  	[tilespmem:s25], [sflag:$0x1] =	stream.indirect_vreg.gather [hbm4b:s5+s2], $0x80, v4, vm0, $0xb8;
	[tilespmem:$0x10080] =	vst v63  }
0xe5: {  	s25 =	simm.s32 $0x1880  }
0xe6: {  	[tilespmem:s25], [sflag:$0x1] =	stream.indirect_vreg.gather [hbm4b:s6+s2], $0x80, v4, vm0, $0xb8;
	[tilespmem:$0x10080] =	vst v63  }
0xe7: {  	s19 =	simm.s32 $0x2080  }
0xe8: {  	[tilespmem:s19], [sflag:$0x1] =	stream.indirect_vreg.gather [hbm4b:s3+s2], $0x80, v3, vm0, $0xb8;
	[tilespmem:$0x10080] =	vst v63  }
0xe9: {  	s25 =	simm.s32 $0x2880  }
0xea: {  	[tilespmem:s25], [sflag:$0x1] =	stream.indirect_vreg.gather [hbm4b:s4+s2], $0x80, v3, vm0, $0xb8;
	[tilespmem:$0x10080] =	vst v63  }
0xeb: {  	s19 =	simm.s32 $0x3080  }
0xec: {  	[tilespmem:s19], [sflag:$0x1] =	stream.indirect_vreg.gather [hbm4b:s5+s2], $0x80, v3, vm0, $0xb8;
	[tilespmem:$0x10080] =	vst v63  }
0xed: {  	s25 =	simm.s32 $0x3880  }
0xee: {  	[tilespmem:s25], [sflag:$0x1] =	stream.indirect_vreg.gather [hbm4b:s6+s2], $0x80, v3, vm0, $0xb8;
	[tilespmem:$0x10080] =	vst v63  }
0xef: {  	v3 =	vld [tilespmem:$0x10];
	_ =	sdelay $0x4  }
0xf0: {  	v57 =	vshll.u32 v3, $0x3  }
0xf1: {  	v3 =	vand.u32 $0x7, v3;
	v4 =	vand.u32 $0xFFFFFFC0, v57  }
0xf2: {  	v3 =	vor.u32 v3, v4  }
0xf3: {  	v4 =	vperm.xlane v3, v0;
	_ =	sdelay $0x1  }
0xf4: {  	v4 =	vadd.s32 v1, v4;
	_ =	sdelay $0x4  }
0xf5: {  	[tilespmem:s16], [sflag:$0x1] =	stream.indirect_vreg.gather [hbm4b:s3+s2], $0x80, v4, vm0, $0xb8;
	[tilespmem:$0x10080] =	vst v63  }
0xf6: {  	s19 =	simm.s32 $0x4880;
	v3 =	vperm.xlane v3, v2  }
0xf7: {  	[tilespmem:s19], [sflag:$0x1] =	stream.indirect_vreg.gather [hbm4b:s4+s2], $0x80, v4, vm0, $0xb8;
	[tilespmem:$0x10080] =	vst v63  }
0xf8: {  	s25 =	simm.s32 $0x5080;
	v3 =	vadd.s32 v1, v3  }
0xf9: {  	[tilespmem:s25], [sflag:$0x1] =	stream.indirect_vreg.gather [hbm4b:s5+s2], $0x80, v4, vm0, $0xb8;
	[tilespmem:$0x10080] =	vst v63  }
0xfa: {  	_ = 	snop  }
0xfb: {  	[tilespmem:s31], [sflag:$0x1] =	stream.indirect_vreg.gather [hbm4b:s6+s2], $0x80, v4, vm0, $0xb8;
	[tilespmem:$0x10080] =	vst v63  }
0xfc: {  	_ = 	snop  }
0xfd: {  	[tilespmem:s0], [sflag:$0x1] =	stream.indirect_vreg.gather [hbm4b:s3+s2], $0x80, v3, vm0, $0xb8;
	[tilespmem:$0x10080] =	vst v63  }
0xfe: {  	_ = 	snop  }
0xff: {  	[tilespmem:s1], [sflag:$0x1] =	stream.indirect_vreg.gather [hbm4b:s4+s2], $0x80, v3, vm0, $0xb8;
	[tilespmem:$0x10080] =	vst v63  }
0x100: {  	_ = 	snop  }
0x101: {  	[tilespmem:s9], [sflag:$0x1] =	stream.indirect_vreg.gather [hbm4b:s5+s2], $0x80, v3, vm0, $0xb8;
	[tilespmem:$0x10080] =	vst v63  }
0x102: {  	_ = 	snop  }
0x103: {  	[tilespmem:s13], [sflag:$0x1] =	stream.indirect_vreg.gather [hbm4b:s6+s2], $0x80, v3, vm0, $0xb8;
	[tilespmem:$0x10080] =	vst v63  }
0x104: {  	v3 =	vld [tilespmem:$0x20];
	_ =	sdelay $0x4  }
0x105: {  	v58 =	vshll.u32 v3, $0x3  }
0x106: {  	v3 =	vand.u32 $0x7, v3;
	v4 =	vand.u32 $0xFFFFFFC0, v58  }
0x107: {  	v3 =	vor.u32 v3, v4  }
0x108: {  	v4 =	vperm.xlane v3, v0;
	_ =	sdelay $0x1  }
0x109: {  	v4 =	vadd.s32 v1, v4;
	_ =	sdelay $0x4  }
0x10a: {  	[tilespmem:s14], [sflag:$0x1] =	stream.indirect_vreg.gather [hbm4b:s3+s2], $0x80, v4, vm0, $0xb8;
	[tilespmem:$0x10080] =	vst v63  }
0x10b: {  	v3 =	vperm.xlane v3, v2  }
0x10c: {  	[tilespmem:s15], [sflag:$0x1] =	stream.indirect_vreg.gather [hbm4b:s4+s2], $0x80, v4, vm0, $0xb8;
	[tilespmem:$0x10080] =	vst v63  }
0x10d: {  	v3 =	vadd.s32 v1, v3  }
0x10e: {  	[tilespmem:s10], [sflag:$0x1] =	stream.indirect_vreg.gather [hbm4b:s5+s2], $0x80, v4, vm0, $0xb8;
	[tilespmem:$0x10080] =	vst v63  }
0x10f: {  	_ = 	snop  }
0x110: {  	[tilespmem:s11], [sflag:$0x1] =	stream.indirect_vreg.gather [hbm4b:s6+s2], $0x80, v4, vm0, $0xb8;
	[tilespmem:$0x10080] =	vst v63  }
0x111: {  	_ = 	snop  }
0x112: {  	[tilespmem:s12], [sflag:$0x1] =	stream.indirect_vreg.gather [hbm4b:s3+s2], $0x80, v3, vm0, $0xb8;
	[tilespmem:$0x10080] =	vst v63  }
0x113: {  	s24 =	simm.s32 $0xA880  }
0x114: {  	[tilespmem:s24], [sflag:$0x1] =	stream.indirect_vreg.gather [hbm4b:s4+s2], $0x80, v3, vm0, $0xb8;
	[tilespmem:$0x10080] =	vst v63  }
0x115: {  	s28 =	simm.s32 $0xB080  }
0x116: {  	[tilespmem:s28], [sflag:$0x1] =	stream.indirect_vreg.gather [hbm4b:s5+s2], $0x80, v3, vm0, $0xb8;
	[tilespmem:$0x10080] =	vst v63  }
0x117: {  	s28 =	simm.s32 $0xB880  }
0x118: {  	[tilespmem:s28], [sflag:$0x1] =	stream.indirect_vreg.gather [hbm4b:s6+s2], $0x80, v3, vm0, $0xb8;
	[tilespmem:$0x10080] =	vst v63  }
0x119: {  	v3 =	vld [tilespmem:$0x30];
	_ =	sdelay $0x4  }
0x11a: {  	v59 =	vshll.u32 v3, $0x3  }
0x11b: {  	v3 =	vand.u32 $0x7, v3;
	v4 =	vand.u32 $0xFFFFFFC0, v59  }
0x11c: {  	v3 =	vor.u32 v3, v4  }
0x11d: {  	v4 =	vperm.xlane v3, v0;
	_ =	sdelay $0x1  }
0x11e: {  	v4 =	vadd.s32 v1, v4;
	_ =	sdelay $0x3  }
0x11f: {  	s24 =	simm.s32 $0xC080  }
0x120: {  	[tilespmem:s24], [sflag:$0x1] =	stream.indirect_vreg.gather [hbm4b:s3+s2], $0x80, v4, vm0, $0xb8;
	[tilespmem:$0x10080] =	vst v63  }
0x121: {  	s25 =	simm.s32 $0xC880;
	v3 =	vperm.xlane v3, v2  }
0x122: {  	[tilespmem:s25], [sflag:$0x1] =	stream.indirect_vreg.gather [hbm4b:s4+s2], $0x80, v4, vm0, $0xb8;
	[tilespmem:$0x10080] =	vst v63  }
0x123: {  	s20 =	simm.s32 $0xD080;
	v3 =	vadd.s32 v1, v3  }
0x124: {  	[tilespmem:s20], [sflag:$0x1] =	stream.indirect_vreg.gather [hbm4b:s5+s2], $0x80, v4, vm0, $0xb8;
	[tilespmem:$0x10080] =	vst v63  }
0x125: {  	s22 =	simm.s32 $0xD880  }
0x126: {  	[tilespmem:s22], [sflag:$0x1] =	stream.indirect_vreg.gather [hbm4b:s6+s2], $0x80, v4, vm0, $0xb8;
	[tilespmem:$0x10080] =	vst v63  }
0x127: {  	s29 =	simm.s32 $0xE080  }
0x128: {  	[tilespmem:s29], [sflag:$0x1] =	stream.indirect_vreg.gather [hbm4b:s3+s2], $0x80, v3, vm0, $0xb8;
	[tilespmem:$0x10080] =	vst v63  }
0x129: {  	s26 =	simm.s32 $0xE880  }
0x12a: {  	[tilespmem:s26], [sflag:$0x1] =	stream.indirect_vreg.gather [hbm4b:s4+s2], $0x80, v3, vm0, $0xb8;
	[tilespmem:$0x10080] =	vst v63  }
0x12b: {  	s30 =	simm.s32 $0xF080  }
0x12c: {  	[tilespmem:s30], [sflag:$0x1] =	stream.indirect_vreg.gather [hbm4b:s5+s2], $0x80, v3, vm0, $0xb8;
	[tilespmem:$0x10080] =	vst v63  }
0x12d: {  	s26 =	simm.s32 $0xF880  }
0x12e: {  	[tilespmem:s26], [sflag:$0x1] =	stream.indirect_vreg.gather [hbm4b:s6+s2], $0x80, v3, vm0, $0xb8;
	[tilespmem:$0x10080] =	vst v63  }
0x12f: {  	_ =	swait.ge [sflag:s18], $0x10000  }
0x130: {  	[sflag:s18] =	ssyncset.done $0x0  }
0x131: {  	s29 =	rddreg [dreg:$0x8];
	[sflag:s18] =	ssyncadd.s32 $0xFFFF0000  }
0x132: {  	[hbm4b:s29+s2] =	stream.linear.scatter [tilespmem:s23], [sflag:$0x2], $0x10000, $0x38;
	[tilespmem:$0x10080] =	vst v63  }
0x133: {  	_ =	swait.ge [sflag:s8], $0x10000  }
0x134: {  	[sflag:s8] =	ssyncset.done $0x0  }
0x135: {  	s30 =	rddreg [dreg:$0x9];
	[sflag:s8] =	ssyncadd.s32 $0xFFFF0000  }
0x136: {  	[tilespmem:s2], [sflag:$0x2] =	stream.linear.gather [hbm4b:s30+s2], $0x40, $0x38;
	[tilespmem:$0x10080] =	vst v63  }
0x137: {  	_ =	swait.ge [sflag:s8], $0x40  }
0x138: {  	[sflag:s8] =	ssyncset.done $0x0  }
0x139: {  	[sflag:s8] =	ssyncadd.s32 $0xFFFFFFC0  }
0x13a: {  	v3 =	vld [tilespmem:$0x0];
	_ =	sdelay $0x4  }
0x13b: {  	v60 =	vshll.u32 v3, $0x3  }
0x13c: {  	v3 =	vand.u32 $0x7, v3;
	v4 =	vand.u32 $0xFFFFFFC0, v60  }
0x13d: {  	v3 =	vor.u32 v3, v4  }
0x13e: {  	v4 =	vperm.xlane v3, v0;
	_ =	sdelay $0x1  }
0x13f: {  	v4 =	vadd.s32 v1, v4;
	_ =	sdelay $0x4  }
0x140: {  	[tilespmem:s23], [sflag:$0x1] =	stream.indirect_vreg.gather [hbm4b:s3+s2], $0x80, v4, vm0, $0xb8;
	[tilespmem:$0x10080] =	vst v63  }
0x141: {  	s29 =	simm.s32 $0x880;
	v3 =	vperm.xlane v3, v2  }
0x142: {  	[tilespmem:s29], [sflag:$0x1] =	stream.indirect_vreg.gather [hbm4b:s4+s2], $0x80, v4, vm0, $0xb8;
	[tilespmem:$0x10080] =	vst v63  }
0x143: {  	s21 =	simm.s32 $0x1080;
	v3 =	vadd.s32 v1, v3  }
0x144: {  	[tilespmem:s21], [sflag:$0x1] =	stream.indirect_vreg.gather [hbm4b:s5+s2], $0x80, v4, vm0, $0xb8;
	[tilespmem:$0x10080] =	vst v63  }
0x145: {  	s30 =	simm.s32 $0x1880  }
0x146: {  	[tilespmem:s30], [sflag:$0x1] =	stream.indirect_vreg.gather [hbm4b:s6+s2], $0x80, v4, vm0, $0xb8;
	[tilespmem:$0x10080] =	vst v63  }
0x147: {  	s21 =	simm.s32 $0x2080  }
0x148: {  	[tilespmem:s21], [sflag:$0x1] =	stream.indirect_vreg.gather [hbm4b:s3+s2], $0x80, v3, vm0, $0xb8;
	[tilespmem:$0x10080] =	vst v63  }
0x149: {  	s29 =	simm.s32 $0x2880  }
0x14a: {  	[tilespmem:s29], [sflag:$0x1] =	stream.indirect_vreg.gather [hbm4b:s4+s2], $0x80, v3, vm0, $0xb8;
	[tilespmem:$0x10080] =	vst v63  }
0x14b: {  	s30 =	simm.s32 $0x3080  }
0x14c: {  	[tilespmem:s30], [sflag:$0x1] =	stream.indirect_vreg.gather [hbm4b:s5+s2], $0x80, v3, vm0, $0xb8;
	[tilespmem:$0x10080] =	vst v63  }
0x14d: {  	s21 =	simm.s32 $0x3880  }
0x14e: {  	[tilespmem:s21], [sflag:$0x1] =	stream.indirect_vreg.gather [hbm4b:s6+s2], $0x80, v3, vm0, $0xb8;
	[tilespmem:$0x10080] =	vst v63  }
0x14f: {  	v3 =	vld [tilespmem:$0x10];
	_ =	sdelay $0x4  }
0x150: {  	v61 =	vshll.u32 v3, $0x3  }
0x151: {  	v3 =	vand.u32 $0x7, v3;
	v4 =	vand.u32 $0xFFFFFFC0, v61  }
0x152: {  	v3 =	vor.u32 v3, v4  }
0x153: {  	v4 =	vperm.xlane v3, v0;
	_ =	sdelay $0x1  }
0x154: {  	v4 =	vadd.s32 v1, v4;
	_ =	sdelay $0x3  }
0x155: {  	s16 =	simm.s32 $0x4080  }
0x156: {  	[tilespmem:s16], [sflag:$0x1] =	stream.indirect_vreg.gather [hbm4b:s3+s2], $0x80, v4, vm0, $0xb8;
	[tilespmem:$0x10080] =	vst v63  }
0x157: {  	s29 =	simm.s32 $0x4880;
	v3 =	vperm.xlane v3, v2  }
0x158: {  	[tilespmem:s29], [sflag:$0x1] =	stream.indirect_vreg.gather [hbm4b:s4+s2], $0x80, v4, vm0, $0xb8;
	[tilespmem:$0x10080] =	vst v63  }
0x159: {  	s30 =	simm.s32 $0x5080;
	v3 =	vadd.s32 v1, v3  }
0x15a: {  	[tilespmem:s30], [sflag:$0x1] =	stream.indirect_vreg.gather [hbm4b:s5+s2], $0x80, v4, vm0, $0xb8;
	[tilespmem:$0x10080] =	vst v63  }
0x15b: {  	s17 =	simm.s32 $0x5880  }
0x15c: {  	[tilespmem:s17], [sflag:$0x1] =	stream.indirect_vreg.gather [hbm4b:s6+s2], $0x80, v4, vm0, $0xb8;
	[tilespmem:$0x10080] =	vst v63  }
0x15d: {  	s0 =	simm.s32 $0x6080  }
0x15e: {  	[tilespmem:s0], [sflag:$0x1] =	stream.indirect_vreg.gather [hbm4b:s3+s2], $0x80, v3, vm0, $0xb8;
	[tilespmem:$0x10080] =	vst v63  }
0x15f: {  	s1 =	simm.s32 $0x6880  }
0x160: {  	[tilespmem:s1], [sflag:$0x1] =	stream.indirect_vreg.gather [hbm4b:s4+s2], $0x80, v3, vm0, $0xb8;
	[tilespmem:$0x10080] =	vst v63  }
0x161: {  	s9 =	simm.s32 $0x7080  }
0x162: {  	[tilespmem:s9], [sflag:$0x1] =	stream.indirect_vreg.gather [hbm4b:s5+s2], $0x80, v3, vm0, $0xb8;
	[tilespmem:$0x10080] =	vst v63  }
0x163: {  	s13 =	simm.s32 $0x7880  }
0x164: {  	[tilespmem:s13], [sflag:$0x1] =	stream.indirect_vreg.gather [hbm4b:s6+s2], $0x80, v3, vm0, $0xb8;
	[tilespmem:$0x10080] =	vst v63  }
0x165: {  	v3 =	vld [tilespmem:$0x20];
	_ =	sdelay $0x4  }
0x166: {  	v62 =	vshll.u32 v3, $0x3  }
0x167: {  	v3 =	vand.u32 $0x7, v3;
	v4 =	vand.u32 $0xFFFFFFC0, v62  }
0x168: {  	v3 =	vor.u32 v3, v4  }
0x169: {  	v4 =	vperm.xlane v3, v0;
	_ =	sdelay $0x1  }
0x16a: {  	v4 =	vadd.s32 v1, v4;
	_ =	sdelay $0x3  }
0x16b: {  	s14 =	simm.s32 $0x8080  }
0x16c: {  	[tilespmem:s14], [sflag:$0x1] =	stream.indirect_vreg.gather [hbm4b:s3+s2], $0x80, v4, vm0, $0xb8;
	[tilespmem:$0x10080] =	vst v63  }
0x16d: {  	s15 =	simm.s32 $0x8880;
	v3 =	vperm.xlane v3, v2  }
0x16e: {  	[tilespmem:s15], [sflag:$0x1] =	stream.indirect_vreg.gather [hbm4b:s4+s2], $0x80, v4, vm0, $0xb8;
	[tilespmem:$0x10080] =	vst v63  }
0x16f: {  	s10 =	simm.s32 $0x9080;
	v3 =	vadd.s32 v1, v3  }
0x170: {  	[tilespmem:s10], [sflag:$0x1] =	stream.indirect_vreg.gather [hbm4b:s5+s2], $0x80, v4, vm0, $0xb8;
	[tilespmem:$0x10080] =	vst v63  }
0x171: {  	s11 =	simm.s32 $0x9880  }
0x172: {  	[tilespmem:s11], [sflag:$0x1] =	stream.indirect_vreg.gather [hbm4b:s6+s2], $0x80, v4, vm0, $0xb8;
	[tilespmem:$0x10080] =	vst v63  }
0x173: {  	s12 =	simm.s32 $0xA080  }
0x174: {  	[tilespmem:s12], [sflag:$0x1] =	stream.indirect_vreg.gather [hbm4b:s3+s2], $0x80, v3, vm0, $0xb8;
	[tilespmem:$0x10080] =	vst v63  }
0x175: {  	s31 =	simm.s32 $0xA880  }
0x176: {  	[tilespmem:s31], [sflag:$0x1] =	stream.indirect_vreg.gather [hbm4b:s4+s2], $0x80, v3, vm0, $0xb8;
	[tilespmem:$0x10080] =	vst v63  }
0x177: {  	s19 =	simm.s32 $0xB080  }
0x178: {  	[tilespmem:s19], [sflag:$0x1] =	stream.indirect_vreg.gather [hbm4b:s5+s2], $0x80, v3, vm0, $0xb8;
	[tilespmem:$0x10080] =	vst v63  }
0x179: {  	s21 =	simm.s32 $0xB880  }
0x17a: {  	[tilespmem:s21], [sflag:$0x1] =	stream.indirect_vreg.gather [hbm4b:s6+s2], $0x80, v3, vm0, $0xb8;
	[tilespmem:$0x10080] =	vst v63  }
0x17b: {  	v3 =	vld [tilespmem:$0x30];
	_ =	sdelay $0x4  }
0x17c: {  	v63 =	vshll.u32 v3, $0x3  }
0x17d: {  	v3 =	vand.u32 $0x7, v3;
	v4 =	vand.u32 $0xFFFFFFC0, v63  }
0x17e: {  	v3 =	vor.u32 v3, v4  }
0x17f: {  	v4 =	vperm.xlane v3, v0;
	_ =	sdelay $0x1  }
0x180: {  	v4 =	vadd.s32 v1, v4;
	_ =	sdelay $0x3  }
0x181: {  	s29 =	simm.s32 $0xC080  }
0x182: {  	[tilespmem:s29], [sflag:$0x1] =	stream.indirect_vreg.gather [hbm4b:s3+s2], $0x80, v4, vm0, $0xb8;
	[tilespmem:$0x10080] =	vst v63  }
0x183: {  	s30 =	simm.s32 $0xC880;
	v3 =	vperm.xlane v3, v2  }
0x184: {  	[tilespmem:s30], [sflag:$0x1] =	stream.indirect_vreg.gather [hbm4b:s4+s2], $0x80, v4, vm0, $0xb8;
	[tilespmem:$0x10080] =	vst v63  }
0x185: {  	s28 =	simm.s32 $0xD080;
	v3 =	vadd.s32 v1, v3  }
0x186: {  	[tilespmem:s28], [sflag:$0x1] =	stream.indirect_vreg.gather [hbm4b:s5+s2], $0x80, v4, vm0, $0xb8;
	[tilespmem:$0x10080] =	vst v63  }
0x187: {  	s20 =	simm.s32 $0xD880  }
0x188: {  	[tilespmem:s20], [sflag:$0x1] =	stream.indirect_vreg.gather [hbm4b:s6+s2], $0x80, v4, vm0, $0xb8;
	[tilespmem:$0x10080] =	vst v63  }
0x189: {  	s24 =	simm.s32 $0xE080  }
0x18a: {  	[tilespmem:s24], [sflag:$0x1] =	stream.indirect_vreg.gather [hbm4b:s3+s2], $0x80, v3, vm0, $0xb8;
	[tilespmem:$0x10080] =	vst v63  }
0x18b: {  	s22 =	simm.s32 $0xE880  }
0x18c: {  	[tilespmem:s22], [sflag:$0x1] =	stream.indirect_vreg.gather [hbm4b:s4+s2], $0x80, v3, vm0, $0xb8;
	[tilespmem:$0x10080] =	vst v63  }
0x18d: {  	s25 =	simm.s32 $0xF080  }
0x18e: {  	[tilespmem:s25], [sflag:$0x1] =	stream.indirect_vreg.gather [hbm4b:s5+s2], $0x80, v3, vm0, $0xb8;
	[tilespmem:$0x10080] =	vst v63  }
0x18f: {  	s26 =	simm.s32 $0xF880  }
0x190: {  	[tilespmem:s26], [sflag:$0x1] =	stream.indirect_vreg.gather [hbm4b:s6+s2], $0x80, v3, vm0, $0xb8;
	[tilespmem:$0x10080] =	vst v63  }
0x191: {  	_ =	swait.ge [sflag:s18], $0x10000  }
0x192: {  	p0 =	sne.s32 s7, $0x1;
	[sflag:s18] =	ssyncset.done $0x0  }
.Ltmp0:
0x193: {  	s31 =	rddreg [dreg:$0xa];
	[sflag:s18] =	ssyncadd.s32 $0xFFFF0000;
	(pc) =	sbr.rel @p0 .LBB2_1-.Ltmp0, $4  }
0x194: {  	[hbm4b:s31+s2] =	stream.linear.scatter [tilespmem:s23], [sflag:$0x2], $0x10000, $0x38;
	[tilespmem:$0x10080] =	vst v63  }
0x195: {  	_ =	swait.ge [sflag:s8], $0x10000  }
0x196: {  	[sflag:s8] =	ssyncset.done $0x0  }
0x197: {  	s7 =	sadd.s32 $0xFFFFFFFF, s7;
	[sflag:s8] =	ssyncadd.s32 $0xFFFF0000  }
0x198: {  	_ =	sfence.sel $0x180000  }
0x199: {  	[bflag:$0x0] =	sbarrier.arrive $0xFFFF  }
0x19a: {  	_ =	strace $0x9000004A  }
0x19b: {  	s0 =	stileid.u32;
	[bflag:$0x2] =	sbarrier.arrive $0xFFFF  }
0x19c: {  	p0 =	sne.s32 s0, $0x0;
	s0 =	rddreg [dreg:$0x2]  }
0x19d: {  	s0 =	sadd.s32 @!p0 $0x100000, s0  }
0x19e: {  	[sflag:s0] =	ssyncadd.tile.s32 @!p0 $0x1;
	_ =	shalt  }
.Lfunc_end2:
_tile_overlayer_lowered:
.L_overlay_start_2:
0x19f: {  	(tag) =	ssettag $0x2  }
0x1a0: {  	s0 =	rddreg [dreg:$0x0];
	s2 =	stileid.u32  }
0x1a1: {  	s1 =	rddreg [dreg:$0x1];
	p0 =	sne.s32 s2, $0x0  }
0x1a2: {  	s3 =	rddreg [dreg:$0x2];
	[bflag:$0x3] =	sbarrier.arrive $0xFFFF;
	s2 =	simm.s32 @!p0 $0x1C02  }
0x1a3: {  	[timem:s3], [sflag:s2] =	dma.local @!p0 [hbm:s0], s1  }
0x1a4: {  	s0 =	simm.s32 @!p0 $0x2  }
0x1a5: {  	_ =	swait.ge @!p0 [sflag:s0], s1  }
0x1a6: {  	s1 =	ssub.s32 @!p0 $0x0, s1;
	[sflag:s0] =	ssyncset.done @!p0 $0x0  }
0x1a7: {  	[sflag:s0] =	ssyncadd.s32 @!p0 s1  }
0x1a8: {  	[bflag:$0x3] =	sbarrier.arrive $0xFFFF  }
0x1a9: {  	_ =	shalt  }

// kernel: kernel.8.cloned.1.call-start
scs
__scs_entry_jumppad:
0x0: {  	(pc) =	sbr.rel $0x88, $3  }
0x1: {  	(tag) =	ssettag $0x0;
	lr =	simm.s32 $0x1  }
0x2: {  	[smem:$0x3F9C] =	sst lr;
	_ =	strace $0xD0000000  }
0x3: {  	_ = 	snop  }
0x4: {  	_ = 	snop  }
0x5: {  	_ = 	snop  }
0x6: {  	_ = 	snop  }
0x7: {  	_ = 	snop  }
__scs_overlays_trampoline_lowered:
0x8: {  	[smem:$0x3FAB] =	sst s0  }
0x9: {  	[smem:$0x3FAC] =	sst s1  }
0xa: {  	[smem:$0x3FAD] =	sst s2  }
0xb: {  	[smem:$0x3FAE] =	sst s3  }
0xc: {  	[smem:$0x3FAF] =	sst s4  }
0xd: {  	[smem:$0x3FB0] =	sst s5  }
0xe: {  	[smem:$0x3FB1] =	sst s6  }
0xf: {  	[smem:$0x3FB2] =	sst s7  }
0x10: {  	[smem:$0x3FB3] =	sst s8  }
0x11: {  	[smem:$0x3FB4] =	sst s9;
	s0 =	simm.s32 @!p0 $0x0  }
0x12: {  	s1 =	sld [smem:$0x3F9A];
	s0 =	simm.s32 @p0 $0x1  }
0x13: {  	[smem:$0x3FB5] =	sst s0;
	s0 =	simm.s32 @!p1 $0x0  }
0x14: {  	s2 =	sld [smem:$0x3F99];
	s0 =	simm.s32 @p1 $0x1  }
0x15: {  	[smem:$0x3FB6] =	sst s0;
	s0 =	simm.s32 @!p2 $0x0  }
0x16: {  	s3 =	sld [smem:$0x3FDB];
	s0 =	simm.s32 @p2 $0x1  }
0x17: {  	s4 =	simm.s32 $0x1BF5;
	[smem:$0x3FB8] =	sst s0  }
0x18: {  	s0 =	sld [smem:$0x3F9B];
	_ =	swait.ge [sflag:s4], $0x0  }
0x19: {  	s7 =	sld [smem:$0x3F9C]  }
0x1a: {  	s8 =	sadd.s32 $0xFFFFE003, lr  }
0x1b: {  	s9 =	sadd.s32 $0xFFFFFEF7, lr;
	s5 =	simm.s32 $0xFFFFFFFF;
	p2 =	slt.u32 s8, $0xFFFFF086  }
0x1c: {  	p1 =	slt.u32 s9, $0xF7A;
	s5 =	simm.s32 @!p2 $0x0  }
0x1d: {  	s5 =	simm.s32 @p1 $0x1;
	p0 =	seq.s32 s7, s2  }
0x1e: {  	s7 =	smul.u32 @!p0 $0xF7A, s2;
	p2 =	seq.s32 @!p0 s5, $0x0  }
0x1f: {  	s9 =	smul.u32 $0xF7A, s1;
	s8 =	simm.s32 @!p0 $0x1BF5;
	p2 =	por !p2, p0  }
0x20: {  	[sflag:s8] =	ssyncset.s32 @!p0 $0xFFFFF086;
	s6 =	sadd.s32 @!p0 s3, s7;
	s7 =	simm.s32 @!p0 $0x108  }
0x21: {  	s3 =	sadd.s32 s3, s9;
	s6 =	sadd.s32 @!p0 $0x88, s6;
	s7 =	simm.s32 @p2 $0x1082  }
0x22: {  	[simem:s7], [sflag:s8] =	dma.local @!p0 [hbm:s6], $0xF7A  }
0x23: {  	s9 =	sor.u32 $0xD0000000, s2;
	s6 =	simm.s32 $0x108;
	_ =	swait.ge @!p0 [sflag:s8], $0x0  }
0x24: {  	s3 =	sadd.s32 $0x88, s3;
	s6 =	simm.s32 @!p1 $0x1082;
	[sflag:s4] =	ssyncset.s32 $0xFFFFF086  }
0x25: {  	[simem:s6], [sflag:s4] =	dma.local [hbm:s3], $0xF7A  }
0x26: {  	[smem:$0x3F9C] =	sst s1;
	(tag) =	ssettag s2;
	_ =	strace s9  }
0x27: {  	s1 =	sld [smem:$0x3FAC]  }
0x28: {  	s2 =	sld [smem:$0x3FAD]  }
0x29: {  	s4 =	sld [smem:$0x3FAF]  }
0x2a: {  	p0 =	seq.s32 s5, $0x0;
	s5 =	sld [smem:$0x3FB0]  }
0x2b: {  	s6 =	sld [smem:$0x3FB1]  }
0x2c: {  	s7 =	sld [smem:$0x3FB2]  }
0x2d: {  	s3 =	simm.s32 $0x108;
	s8 =	sld [smem:$0x3FB3]  }
0x2e: {  	s3 =	simm.s32 @!p0 $0x1082;
	s9 =	sld [smem:$0x3FB4]  }
0x2f: {  	lr =	sadd.s32 s0, s3;
	s0 =	sld [smem:$0x3FAB]  }
0x30: {  	s3 =	sld [smem:$0x3FAE]  }
0x31: {  	[smem:$0x3FB7] =	sst s10  }
0x32: {  	s10 =	sld [smem:$0x3FB5];
	_ =	sdelay $0x3  }
0x33: {  	p0 =	seq.s32 s10, $0x1;
	s10 =	sld [smem:$0x3FB7];
	_ =	sdelay $0x3  }
0x34: {  	[smem:$0x3FB7] =	sst s10  }
0x35: {  	s10 =	sld [smem:$0x3FB6];
	_ =	sdelay $0x3  }
0x36: {  	p1 =	seq.s32 s10, $0x1;
	s10 =	sld [smem:$0x3FB7];
	_ =	sdelay $0x3  }
0x37: {  	[smem:$0x3FB7] =	sst s10  }
0x38: {  	s10 =	sld [smem:$0x3FB8]  }
0x39: {  	_ = 	snop;
	(pc) =	sbr.ind lr, $3  }
0x3a: {  	_ = 	snop  }
0x3b: {  	_ = 	snop  }
0x3c: {  	p2 =	seq.s32 s10, $0x1;
	s10 =	sld [smem:$0x3FB7]  }
0x3d: {  	_ =	shalt  }
0x3e: {  	_ =	shalt  }
0x3f: {  	_ =	shalt  }
0x40: {  	_ =	shalt  }
0x41: {  	_ =	shalt  }
0x42: {  	_ =	shalt  }
0x43: {  	_ =	shalt  }
0x44: {  	_ =	shalt  }
0x45: {  	_ =	shalt  }
0x46: {  	_ =	shalt  }
0x47: {  	_ =	shalt  }
0x48: {  	_ =	shalt  }
0x49: {  	_ =	shalt  }
0x4a: {  	_ =	shalt  }
0x4b: {  	_ =	shalt  }
0x4c: {  	_ =	shalt  }
0x4d: {  	_ =	shalt  }
0x4e: {  	_ =	shalt  }
0x4f: {  	_ =	shalt  }
0x50: {  	_ =	shalt  }
0x51: {  	_ =	shalt  }
0x52: {  	_ =	shalt  }
0x53: {  	_ =	shalt  }
0x54: {  	_ =	shalt  }
0x55: {  	_ =	shalt  }
0x56: {  	_ =	shalt  }
0x57: {  	_ =	shalt  }
0x58: {  	_ =	shalt  }
0x59: {  	_ =	shalt  }
0x5a: {  	_ =	shalt  }
0x5b: {  	_ =	shalt  }
0x5c: {  	_ =	shalt  }
0x5d: {  	_ =	shalt  }
0x5e: {  	_ =	shalt  }
0x5f: {  	_ =	shalt  }
0x60: {  	_ =	shalt  }
0x61: {  	_ =	shalt  }
0x62: {  	_ =	shalt  }
0x63: {  	_ =	shalt  }
0x64: {  	_ =	shalt  }
0x65: {  	_ =	shalt  }
0x66: {  	_ =	shalt  }
0x67: {  	_ =	shalt  }
0x68: {  	_ =	shalt  }
0x69: {  	_ =	shalt  }
0x6a: {  	_ =	shalt  }
0x6b: {  	_ =	shalt  }
0x6c: {  	_ =	shalt  }
0x6d: {  	_ =	shalt  }
0x6e: {  	_ =	shalt  }
0x6f: {  	_ =	shalt  }
0x70: {  	_ =	shalt  }
0x71: {  	_ =	shalt  }
0x72: {  	_ =	shalt  }
0x73: {  	_ =	shalt  }
0x74: {  	_ =	shalt  }
0x75: {  	_ =	shalt  }
0x76: {  	_ =	shalt  }
0x77: {  	_ =	shalt  }
0x78: {  	_ =	shalt  }
0x79: {  	_ =	shalt  }
0x7a: {  	_ =	shalt  }
0x7b: {  	_ =	shalt  }
0x7c: {  	_ =	shalt  }
0x7d: {  	_ =	shalt  }
0x7e: {  	_ =	shalt  }
0x7f: {  	_ =	shalt  }
0x80: {  	_ =	shalt  }
0x81: {  	_ =	shalt  }
0x82: {  	_ =	shalt  }
0x83: {  	_ =	shalt  }
0x84: {  	_ =	shalt  }
0x85: {  	_ =	shalt  }
0x86: {  	_ =	shalt  }
0x87: {  	_ =	shalt  }
.Lfunc_end0:
.L_simem_size_0:
called_computation_lowered:
.L_overlay_start_0:
0x88: {  	s2 =	sld [smem:$0x3FD9]  }
0x89: {  	s3 =	sld [smem:$0x3FFE];
	_ =	sdelay $0x1  }
0x8a: {  	s1 =	srdreg.scid  }
0x8b: {  	s0 =	sand.u32 $0x1, s1  }
0x8c: {  	s17 =	sshll.u32 s0, $0xA;
	s2 =	sadd.s32 s3, s2  }
0x8d: {  	s2 =	sadd.s32 s2, s17  }
0x8e: {  	[smem:$0x3FC3] =	sst s2  }
0x8f: {  	_ = 	snop  }
0x90: {  	s2 =	sld [smem:$0x3FC9];
	(tm) =	ssettm $0x1  }
0x91: {  	s18 =	sld [smem:$0x3FFB];
	_ =	sdelay $0x3  }
0x92: {  	_ =	strace s18  }
0x93: {  	s3 =	sld [smem:$0x3FFC];
	_ =	sdelay $0x3  }
0x94: {  	_ =	strace s3  }
0x95: {  	s3 =	sld [smem:$0x3FFD];
	_ =	sdelay $0x3  }
0x96: {  	_ =	strace s3  }
0x97: {  	_ =	strace $0x8FFFFFFF  }
0x98: {  	s19 =	sld [smem:$0x3FDB];
	_ =	sdelay $0x1  }
0x99: {  	s4 =	simm.s32 $_scs_section_size  }
0x9a: {  	s5 =	simm.s32 $_size__tile_overlayer_lowered;
	s6 =	simm.s32 $_tile_overlayer_lowered  }
0x9b: {  	s22 =	simm.s32 $0x1BFF;
	s21 =	sshll.u32 s6, $0x1;
	s3 =	sadd.s32 s4, s19  }
0x9c: {  	s7 =	simm.s32 $0x0;
	s20 =	sshll.u32 s5, $0x1;
	s5 =	sadd.s32 s21, s3  }
0x9d: {  	[timem:s7], [sflag:s22] =	dma.local [hbm:s5], s20  }
0x9e: {  	_ =	swait.ge [sflag:s22], s20  }
0x9f: {  	s4 =	ssub.s32 $0x0, s20;
	[sflag:s22] =	ssyncset.done $0x0  }
0xa0: {  	[sflag:s22] =	ssyncadd.s32 s4;
	_ =	sdelay $0x1  }
0xa1: {  	s23 =	simm.s32 $0x1B8B  }
0xa2: {  	_ =	swait.ge [sflag:s23], $0x1  }
0xa3: {  	[sflag:s23] =	ssyncset.done $0x0  }
0xa4: {  	s25 =	simm.s32 $0x1B8E;
	s24 =	sld [smem:$0x3FFE];
	[sflag:s23] =	ssyncadd.s32 $0xFFFFFFFF  }
0xa5: {  	s26 =	simm.s32 $execute0_lowered;
	[smem:$0x3FD2] =	sst s25  }
0xa6: {  	s5 =	sshll.u32 s26, $0x1;
	_ =	strace $0x80000046;
	[dreg:$0x1] =	wrdreg $0xFFFFFFFF  }
0xa7: {  	s28 =	simm.s32 $_size_execute0_lowered;
	s3 =	sadd.s32 s3, s5;
	[dreg:$0x0] =	wrdreg $0x0  }
0xa8: {  	s5 =	sshll.u32 s28, $0x1;
	[dreg:$0x2] =	wrdreg s3  }
0xa9: {  	[dreg:$0x3] =	wrdreg s5  }
0xaa: {  	[dreg:$0x4] =	wrdreg $0xC0  }
0xab: {  	_ =	task [dreg:s7], $0x5FFFF  }
0xac: {  	[dreg:$0x1] =	wrdreg $0xFFFFFFFF  }
0xad: {  	[dreg:$0x0] =	wrdreg $0x60  }
0xae: {  	[dreg:$0x2] =	wrdreg s2  }
0xaf: {  	[dreg:$0x3] =	wrdreg s24  }
0xb0: {  	[dreg:$0x4] =	wrdreg $0x9  }
0xb1: {  	_ =	task.clear_ibuf [dreg:s7], $0x5FFFF;
	_ =	strace $0x90000046  }
0xb2: {  	s29 =	simm.s32 $0x9;
	_ =	strace $0x80000048  }
0xb3: {  	_ =	swait.ge [sflag:s29], $0x1  }
0xb4: {  	[sflag:s29] =	ssyncadd.s32 $0xFFFFFFFF  }
0xb5: {  	_ =	strace $0x90000048  }
0xb6: {  	_ =	sfence  }
0xb7: {  	s30 =	sld [smem:$0x0];
	_ =	sdelay $0x2  }
0xb8: {  	s31 =	sshll.u32 s1, $0xD;
	s1 =	sshrl.u32 s1, $0x2  }
0xb9: {  	s3 =	sand.u32 $0x4000, s31;
	s1 =	sadd.s32 s1, s30  }
0xba: {  	s0 =	sor.u32 s3, s0;
	s1 =	sshll.u32 s1, $0x11  }
0xbb: {  	s0 =	sor.u32 s1, s0  }
0xbc: {  	s0 =	sadd.s32 $0x8F2B, s0  }
0xbd: {  	[sflag:s0] =	ssyncadd.remote.s32 $0x1  }
0xbe: {  	_ =	sfence.sel $0xFFFF  }
0xbf: {  	[dreg:$0x0] =	wrdreg $0xFFFFFFFF;
	(pc) =	sbr.abs _section_cstart, $3  }
0xc0: {  	[dreg:$0x1] =	wrdreg $0xFFFFFFFF  }
0xc1: {  	_ =	task.clear_ibuf [dreg:s7], $0x2FFFF;
	_ =	strace $0x9FFFFFFF  }
0xc2: {  	(tm) =	ssettm $0x7FFFFFFF  }
0xc3: {  	_ =	shalt  }
tec
execute0_lowered:
.L_overlay_start_1:
0x0: {  	(tag) =	ssettag $0x1  }
0x1: {  	s0 =	rddreg [dreg:$0x0]  }
0x2: {  	s1 =	rddreg [dreg:$0x1]  }
0x3: {  	s2 =	srdreg.scid;
	s4 =	stileid.u32  }
0x4: {  	s19 =	simm.s32 $0x1;
	s3 =	sand.u32 $0x1, s2;
	s2 =	simm.s32 $0x0  }
0x5: {  	s4 =	sshll.u32 s4, $0x8;
	s25 =	sadd.s32 $0xC00, s1;
	s7 =	sadd.s32 $0xE00, s1  }
0x6: {  	s5 =	sshll.u32 s3, $0x7;
	[smem:$0x7FF] =	sst s2;
	s8 =	ssub.s32 $0x2, s3  }
0x7: {  	s3 =	sadd.s32 $0x1000, s1;
	s4 =	sor.u32 s5, s4;
	_ =	strace $0x80000047  }
0x8: {  	s10 =	sshrl.u32 s8, $0x1;
	s6 =	sshrl.u32 s4, $0x3;
	s26 =	sshll.u32 s4, $0x7  }
0x9: {  	s4 =	sor.u32 $0x40, s4;
	s8 =	ssub.s32 s8, s10;
	s9 =	sadd.s32 s25, s6  }
0xa: {  	s6 =	sadd.s32 s7, s6;
	s28 =	sadd.s32 s0, s26;
	[dreg:$0x3] =	wrdreg s9  }
0xb: {  	s29 =	sshrl.u32 s4, $0x3;
	s31 =	sshll.u32 s4, $0x7;
	[dreg:$0x4] =	wrdreg s6  }
0xc: {  	s4 =	sadd.s32 $0x1100, s1;
	[dreg:$0x5] =	wrdreg s28;
	s5 =	sadd.s32 s25, s29  }
0xd: {  	v2 =	vlaneseq.u32;
	s30 =	sadd.s32 s7, s29;
	s0 =	sadd.s32 s0, s31;
	[dreg:$0x6] =	wrdreg s5  }
0xe: {  	vm0 =	vmmov $0xffff;
	v1 =	vshrl.u32 v2, $0x3;
	s6 =	sadd.s32 $0x1300, s1;
	s7 =	smax.u32 s8, $0x1;
	[dreg:$0x7] =	wrdreg s30  }
0xf: {  	v0 =	vand.u32 $0x7, v2;
	v2 =	vor.u32 $0x8, v2;
	v1 =	vmul.u32 $0x8, v1;
	s8 =	simm.s32 $0x2;
	s5 =	sadd.s32 $0x1200, s1;
	[dreg:$0x8] =	wrdreg s0  }
.LBB2_1:
0x10: {  	s20 =	rddreg [dreg:$0x3]  }
0x11: {  	[tilespmem:s2], [sflag:$0x2] =	stream.linear.gather [hbm4b:s20+s2], $0x40, $0x38;
	[tilespmem:$0x10100] =	vst v63  }
0x12: {  	_ =	swait.ge [sflag:s8], $0x40  }
0x13: {  	[sflag:s8] =	ssyncset.done $0x0  }
0x14: {  	s0 =	simm.s32 $0x80;
	s14 =	rddreg [dreg:$0x4];
	[sflag:s8] =	ssyncadd.s32 $0xFFFFFFC0  }
0x15: {  	[tilespmem:s0], [sflag:$0x2] =	stream.linear.gather [hbm4b:s14+s2], $0x40, $0x38;
	[tilespmem:$0x10100] =	vst v63  }
0x16: {  	_ =	swait.ge [sflag:s8], $0x40  }
0x17: {  	[sflag:s8] =	ssyncset.done $0x0  }
0x18: {  	s13 =	simm.s32 $0x100;
	s15 =	rddreg [dreg:$0x5];
	[sflag:s8] =	ssyncadd.s32 $0xFFFFFFC0  }
0x19: {  	[tilespmem:s13], [sflag:$0x2] =	stream.linear.gather [hbm4b:s15+s2], $0x10000, $0x38;
	[tilespmem:$0x10100] =	vst v63  }
0x1a: {  	_ =	swait.ge [sflag:s8], $0x10000  }
0x1b: {  	[sflag:s8] =	ssyncset.done $0x0  }
0x1c: {  	[sflag:s8] =	ssyncadd.s32 $0xFFFF0000  }
0x1d: {  	v3 =	vld [tilespmem:$0x0];
	_ =	sdelay $0x4  }
0x1e: {  	v4 =	vshll.u32 v3, $0x3  }
0x1f: {  	v3 =	vand.u32 $0x7, v3;
	v4 =	vand.u32 $0xFFFFFFC0, v4  }
0x20: {  	v3 =	vor.u32 v3, v4  }
0x21: {  	v4 =	vperm.xlane v3, v0;
	_ =	sdelay $0x1  }
0x22: {  	v4 =	vadd.s32 v1, v4;
	_ =	sdelay $0x4  }
0x23: {  	[hbm4b:s3+s2] =	stream.indirect_vreg.scatter [tilespmem:s13], [sflag:$0x1], $0x80, v4, vm0, $0xb8;
	[tilespmem:$0x10100] =	vst v63  }
0x24: {  	s1 =	simm.s32 $0x900;
	v3 =	vperm.xlane v3, v2  }
0x25: {  	[hbm4b:s4+s2] =	stream.indirect_vreg.scatter [tilespmem:s1], [sflag:$0x1], $0x80, v4, vm0, $0xb8;
	[tilespmem:$0x10100] =	vst v63  }
0x26: {  	s16 =	simm.s32 $0x1100;
	v3 =	vadd.s32 v1, v3  }
0x27: {  	[hbm4b:s5+s2] =	stream.indirect_vreg.scatter [tilespmem:s16], [sflag:$0x1], $0x80, v4, vm0, $0xb8;
	[tilespmem:$0x10100] =	vst v63  }
0x28: {  	s17 =	simm.s32 $0x1900  }
0x29: {  	[hbm4b:s6+s2] =	stream.indirect_vreg.scatter [tilespmem:s17], [sflag:$0x1], $0x80, v4, vm0, $0xb8;
	[tilespmem:$0x10100] =	vst v63  }
0x2a: {  	s18 =	simm.s32 $0x2100  }
0x2b: {  	[hbm4b:s3+s2] =	stream.indirect_vreg.scatter [tilespmem:s18], [sflag:$0x1], $0x80, v3, vm0, $0xb8;
	[tilespmem:$0x10100] =	vst v63  }
0x2c: {  	s20 =	simm.s32 $0x2900  }
0x2d: {  	[hbm4b:s4+s2] =	stream.indirect_vreg.scatter [tilespmem:s20], [sflag:$0x1], $0x80, v3, vm0, $0xb8;
	[tilespmem:$0x10100] =	vst v63  }
0x2e: {  	s21 =	simm.s32 $0x3100  }
0x2f: {  	[hbm4b:s5+s2] =	stream.indirect_vreg.scatter [tilespmem:s21], [sflag:$0x1], $0x80, v3, vm0, $0xb8;
	[tilespmem:$0x10100] =	vst v63  }
0x30: {  	s22 =	simm.s32 $0x3900  }
0x31: {  	[hbm4b:s6+s2] =	stream.indirect_vreg.scatter [tilespmem:s22], [sflag:$0x1], $0x80, v3, vm0, $0xb8;
	[tilespmem:$0x10100] =	vst v63  }
0x32: {  	v3 =	vld [tilespmem:$0x10];
	_ =	sdelay $0x4  }
0x33: {  	v49 =	vshll.u32 v3, $0x3  }
0x34: {  	v3 =	vand.u32 $0x7, v3;
	v4 =	vand.u32 $0xFFFFFFC0, v49  }
0x35: {  	v3 =	vor.u32 v3, v4  }
0x36: {  	v4 =	vperm.xlane v3, v0;
	_ =	sdelay $0x1  }
0x37: {  	v4 =	vadd.s32 v1, v4;
	_ =	sdelay $0x3  }
0x38: {  	s23 =	simm.s32 $0x4100  }
0x39: {  	[hbm4b:s3+s2] =	stream.indirect_vreg.scatter [tilespmem:s23], [sflag:$0x1], $0x80, v4, vm0, $0xb8;
	[tilespmem:$0x10100] =	vst v63  }
0x3a: {  	s24 =	simm.s32 $0x4900;
	v3 =	vperm.xlane v3, v2  }
0x3b: {  	[hbm4b:s4+s2] =	stream.indirect_vreg.scatter [tilespmem:s24], [sflag:$0x1], $0x80, v4, vm0, $0xb8;
	[tilespmem:$0x10100] =	vst v63  }
0x3c: {  	s31 =	simm.s32 $0x5100;
	v3 =	vadd.s32 v1, v3  }
0x3d: {  	[hbm4b:s5+s2] =	stream.indirect_vreg.scatter [tilespmem:s31], [sflag:$0x1], $0x80, v4, vm0, $0xb8;
	[tilespmem:$0x10100] =	vst v63  }
0x3e: {  	s0 =	simm.s32 $0x5900  }
0x3f: {  	[hbm4b:s6+s2] =	stream.indirect_vreg.scatter [tilespmem:s0], [sflag:$0x1], $0x80, v4, vm0, $0xb8;
	[tilespmem:$0x10100] =	vst v63  }
0x40: {  	s9 =	simm.s32 $0x6100  }
0x41: {  	[hbm4b:s3+s2] =	stream.indirect_vreg.scatter [tilespmem:s9], [sflag:$0x1], $0x80, v3, vm0, $0xb8;
	[tilespmem:$0x10100] =	vst v63  }
0x42: {  	s10 =	simm.s32 $0x6900  }
0x43: {  	[hbm4b:s4+s2] =	stream.indirect_vreg.scatter [tilespmem:s10], [sflag:$0x1], $0x80, v3, vm0, $0xb8;
	[tilespmem:$0x10100] =	vst v63  }
0x44: {  	s11 =	simm.s32 $0x7100  }
0x45: {  	[hbm4b:s5+s2] =	stream.indirect_vreg.scatter [tilespmem:s11], [sflag:$0x1], $0x80, v3, vm0, $0xb8;
	[tilespmem:$0x10100] =	vst v63  }
0x46: {  	s12 =	simm.s32 $0x7900  }
0x47: {  	[hbm4b:s6+s2] =	stream.indirect_vreg.scatter [tilespmem:s12], [sflag:$0x1], $0x80, v3, vm0, $0xb8;
	[tilespmem:$0x10100] =	vst v63  }
0x48: {  	v3 =	vld [tilespmem:$0x20];
	_ =	sdelay $0x4  }
0x49: {  	v50 =	vshll.u32 v3, $0x3  }
0x4a: {  	v3 =	vand.u32 $0x7, v3;
	v4 =	vand.u32 $0xFFFFFFC0, v50  }
0x4b: {  	v3 =	vor.u32 v3, v4  }
0x4c: {  	v4 =	vperm.xlane v3, v0;
	_ =	sdelay $0x1  }
0x4d: {  	v4 =	vadd.s32 v1, v4;
	_ =	sdelay $0x3  }
0x4e: {  	s14 =	simm.s32 $0x8100  }
0x4f: {  	[hbm4b:s3+s2] =	stream.indirect_vreg.scatter [tilespmem:s14], [sflag:$0x1], $0x80, v4, vm0, $0xb8;
	[tilespmem:$0x10100] =	vst v63  }
0x50: {  	s20 =	simm.s32 $0x8900;
	v3 =	vperm.xlane v3, v2  }
0x51: {  	[hbm4b:s4+s2] =	stream.indirect_vreg.scatter [tilespmem:s20], [sflag:$0x1], $0x80, v4, vm0, $0xb8;
	[tilespmem:$0x10100] =	vst v63  }
0x52: {  	s21 =	simm.s32 $0x9100;
	v3 =	vadd.s32 v1, v3  }
0x53: {  	[hbm4b:s5+s2] =	stream.indirect_vreg.scatter [tilespmem:s21], [sflag:$0x1], $0x80, v4, vm0, $0xb8;
	[tilespmem:$0x10100] =	vst v63  }
0x54: {  	s22 =	simm.s32 $0x9900  }
0x55: {  	[hbm4b:s6+s2] =	stream.indirect_vreg.scatter [tilespmem:s22], [sflag:$0x1], $0x80, v4, vm0, $0xb8;
	[tilespmem:$0x10100] =	vst v63  }
0x56: {  	s23 =	simm.s32 $0xA100  }
0x57: {  	[hbm4b:s3+s2] =	stream.indirect_vreg.scatter [tilespmem:s23], [sflag:$0x1], $0x80, v3, vm0, $0xb8;
	[tilespmem:$0x10100] =	vst v63  }
0x58: {  	s31 =	simm.s32 $0xA900  }
0x59: {  	[hbm4b:s4+s2] =	stream.indirect_vreg.scatter [tilespmem:s31], [sflag:$0x1], $0x80, v3, vm0, $0xb8;
	[tilespmem:$0x10100] =	vst v63  }
0x5a: {  	s0 =	simm.s32 $0xB100  }
0x5b: {  	[hbm4b:s5+s2] =	stream.indirect_vreg.scatter [tilespmem:s0], [sflag:$0x1], $0x80, v3, vm0, $0xb8;
	[tilespmem:$0x10100] =	vst v63  }
0x5c: {  	s1 =	simm.s32 $0xB900  }
0x5d: {  	[hbm4b:s6+s2] =	stream.indirect_vreg.scatter [tilespmem:s1], [sflag:$0x1], $0x80, v3, vm0, $0xb8;
	[tilespmem:$0x10100] =	vst v63  }
0x5e: {  	v3 =	vld [tilespmem:$0x30];
	_ =	sdelay $0x4  }
0x5f: {  	v51 =	vshll.u32 v3, $0x3  }
0x60: {  	v3 =	vand.u32 $0x7, v3;
	v4 =	vand.u32 $0xFFFFFFC0, v51  }
0x61: {  	v3 =	vor.u32 v3, v4  }
0x62: {  	v4 =	vperm.xlane v3, v0;
	_ =	sdelay $0x1  }
0x63: {  	v4 =	vadd.s32 v1, v4;
	_ =	sdelay $0x3  }
0x64: {  	s9 =	simm.s32 $0xC100  }
0x65: {  	[hbm4b:s3+s2] =	stream.indirect_vreg.scatter [tilespmem:s9], [sflag:$0x1], $0x80, v4, vm0, $0xb8;
	[tilespmem:$0x10100] =	vst v63  }
0x66: {  	s10 =	simm.s32 $0xC900;
	v3 =	vperm.xlane v3, v2  }
0x67: {  	[hbm4b:s4+s2] =	stream.indirect_vreg.scatter [tilespmem:s10], [sflag:$0x1], $0x80, v4, vm0, $0xb8;
	[tilespmem:$0x10100] =	vst v63  }
0x68: {  	s31 =	simm.s32 $0xD100;
	v3 =	vadd.s32 v1, v3  }
0x69: {  	[hbm4b:s5+s2] =	stream.indirect_vreg.scatter [tilespmem:s31], [sflag:$0x1], $0x80, v4, vm0, $0xb8;
	[tilespmem:$0x10100] =	vst v63  }
0x6a: {  	s1 =	simm.s32 $0xD900  }
0x6b: {  	[hbm4b:s6+s2] =	stream.indirect_vreg.scatter [tilespmem:s1], [sflag:$0x1], $0x80, v4, vm0, $0xb8;
	[tilespmem:$0x10100] =	vst v63  }
0x6c: {  	s1 =	simm.s32 $0xE100  }
0x6d: {  	[hbm4b:s3+s2] =	stream.indirect_vreg.scatter [tilespmem:s1], [sflag:$0x1], $0x80, v3, vm0, $0xb8;
	[tilespmem:$0x10100] =	vst v63  }
0x6e: {  	s1 =	simm.s32 $0xE900  }
0x6f: {  	[hbm4b:s4+s2] =	stream.indirect_vreg.scatter [tilespmem:s1], [sflag:$0x1], $0x80, v3, vm0, $0xb8;
	[tilespmem:$0x10100] =	vst v63  }
0x70: {  	s1 =	simm.s32 $0xF100  }
0x71: {  	[hbm4b:s5+s2] =	stream.indirect_vreg.scatter [tilespmem:s1], [sflag:$0x1], $0x80, v3, vm0, $0xb8;
	[tilespmem:$0x10100] =	vst v63  }
0x72: {  	s1 =	simm.s32 $0xF900  }
0x73: {  	[hbm4b:s6+s2] =	stream.indirect_vreg.scatter [tilespmem:s1], [sflag:$0x1], $0x80, v3, vm0, $0xb8;
	[tilespmem:$0x10100] =	vst v63  }
0x74: {  	v3 =	vld [tilespmem:$0x80];
	_ =	sdelay $0x4  }
0x75: {  	v52 =	vshll.u32 v3, $0x3  }
0x76: {  	v3 =	vand.u32 $0x7, v3;
	v4 =	vand.u32 $0xFFFFFFC0, v52  }
0x77: {  	v3 =	vor.u32 v3, v4  }
0x78: {  	v4 =	vperm.xlane v3, v0;
	_ =	sdelay $0x1  }
0x79: {  	v4 =	vadd.s32 v1, v4;
	_ =	sdelay $0x4  }
0x7a: {  	[hbm4b:s3+s2] =	stream.indirect_vreg.scatter [tilespmem:s13], [sflag:$0x1], $0x80, v4, vm0, $0xb8;
	[tilespmem:$0x10100] =	vst v63  }
0x7b: {  	s15 =	simm.s32 $0x900;
	v3 =	vperm.xlane v3, v2  }
0x7c: {  	[hbm4b:s4+s2] =	stream.indirect_vreg.scatter [tilespmem:s15], [sflag:$0x1], $0x80, v4, vm0, $0xb8;
	[tilespmem:$0x10100] =	vst v63  }
0x7d: {  	s25 =	simm.s32 $0x1100;
	v3 =	vadd.s32 v1, v3  }
0x7e: {  	[hbm4b:s5+s2] =	stream.indirect_vreg.scatter [tilespmem:s25], [sflag:$0x1], $0x80, v4, vm0, $0xb8;
	[tilespmem:$0x10100] =	vst v63  }
0x7f: {  	s26 =	simm.s32 $0x1900  }
0x80: {  	[hbm4b:s6+s2] =	stream.indirect_vreg.scatter [tilespmem:s26], [sflag:$0x1], $0x80, v4, vm0, $0xb8;
	[tilespmem:$0x10100] =	vst v63  }
0x81: {  	s28 =	simm.s32 $0x2100  }
0x82: {  	[hbm4b:s3+s2] =	stream.indirect_vreg.scatter [tilespmem:s28], [sflag:$0x1], $0x80, v3, vm0, $0xb8;
	[tilespmem:$0x10100] =	vst v63  }
0x83: {  	s29 =	simm.s32 $0x2900  }
0x84: {  	[hbm4b:s4+s2] =	stream.indirect_vreg.scatter [tilespmem:s29], [sflag:$0x1], $0x80, v3, vm0, $0xb8;
	[tilespmem:$0x10100] =	vst v63  }
0x85: {  	s30 =	simm.s32 $0x3100  }
0x86: {  	[hbm4b:s5+s2] =	stream.indirect_vreg.scatter [tilespmem:s30], [sflag:$0x1], $0x80, v3, vm0, $0xb8;
	[tilespmem:$0x10100] =	vst v63  }
0x87: {  	s16 =	simm.s32 $0x3900  }
0x88: {  	[hbm4b:s6+s2] =	stream.indirect_vreg.scatter [tilespmem:s16], [sflag:$0x1], $0x80, v3, vm0, $0xb8;
	[tilespmem:$0x10100] =	vst v63  }
0x89: {  	v3 =	vld [tilespmem:$0x90];
	_ =	sdelay $0x4  }
0x8a: {  	v53 =	vshll.u32 v3, $0x3  }
0x8b: {  	v3 =	vand.u32 $0x7, v3;
	v4 =	vand.u32 $0xFFFFFFC0, v53  }
0x8c: {  	v3 =	vor.u32 v3, v4  }
0x8d: {  	v4 =	vperm.xlane v3, v0;
	_ =	sdelay $0x1  }
0x8e: {  	v4 =	vadd.s32 v1, v4;
	_ =	sdelay $0x3  }
0x8f: {  	s17 =	simm.s32 $0x4100  }
0x90: {  	[hbm4b:s3+s2] =	stream.indirect_vreg.scatter [tilespmem:s17], [sflag:$0x1], $0x80, v4, vm0, $0xb8;
	[tilespmem:$0x10100] =	vst v63  }
0x91: {  	s18 =	simm.s32 $0x4900;
	v3 =	vperm.xlane v3, v2  }
0x92: {  	[hbm4b:s4+s2] =	stream.indirect_vreg.scatter [tilespmem:s18], [sflag:$0x1], $0x80, v4, vm0, $0xb8;
	[tilespmem:$0x10100] =	vst v63  }
0x93: {  	s24 =	simm.s32 $0x5100;
	v3 =	vadd.s32 v1, v3  }
0x94: {  	[hbm4b:s5+s2] =	stream.indirect_vreg.scatter [tilespmem:s24], [sflag:$0x1], $0x80, v4, vm0, $0xb8;
	[tilespmem:$0x10100] =	vst v63  }
0x95: {  	s1 =	simm.s32 $0x5900  }
0x96: {  	[hbm4b:s6+s2] =	stream.indirect_vreg.scatter [tilespmem:s1], [sflag:$0x1], $0x80, v4, vm0, $0xb8;
	[tilespmem:$0x10100] =	vst v63  }
0x97: {  	s18 =	simm.s32 $0x6100  }
0x98: {  	[hbm4b:s3+s2] =	stream.indirect_vreg.scatter [tilespmem:s18], [sflag:$0x1], $0x80, v3, vm0, $0xb8;
	[tilespmem:$0x10100] =	vst v63  }
0x99: {  	s24 =	simm.s32 $0x6900  }
0x9a: {  	[hbm4b:s4+s2] =	stream.indirect_vreg.scatter [tilespmem:s24], [sflag:$0x1], $0x80, v3, vm0, $0xb8;
	[tilespmem:$0x10100] =	vst v63  }
0x9b: {  	s30 =	simm.s32 $0x7100  }
0x9c: {  	[hbm4b:s5+s2] =	stream.indirect_vreg.scatter [tilespmem:s30], [sflag:$0x1], $0x80, v3, vm0, $0xb8;
	[tilespmem:$0x10100] =	vst v63  }
0x9d: {  	s11 =	simm.s32 $0x7900  }
0x9e: {  	[hbm4b:s6+s2] =	stream.indirect_vreg.scatter [tilespmem:s11], [sflag:$0x1], $0x80, v3, vm0, $0xb8;
	[tilespmem:$0x10100] =	vst v63  }
0x9f: {  	v3 =	vld [tilespmem:$0xA0];
	_ =	sdelay $0x4  }
0xa0: {  	v54 =	vshll.u32 v3, $0x3  }
0xa1: {  	v3 =	vand.u32 $0x7, v3;
	v4 =	vand.u32 $0xFFFFFFC0, v54  }
0xa2: {  	v3 =	vor.u32 v3, v4  }
0xa3: {  	v4 =	vperm.xlane v3, v0;
	_ =	sdelay $0x1  }
0xa4: {  	v4 =	vadd.s32 v1, v4;
	_ =	sdelay $0x3  }
0xa5: {  	s12 =	simm.s32 $0x8100  }
0xa6: {  	[hbm4b:s3+s2] =	stream.indirect_vreg.scatter [tilespmem:s12], [sflag:$0x1], $0x80, v4, vm0, $0xb8;
	[tilespmem:$0x10100] =	vst v63  }
0xa7: {  	s14 =	simm.s32 $0x8900;
	v3 =	vperm.xlane v3, v2  }
0xa8: {  	[hbm4b:s4+s2] =	stream.indirect_vreg.scatter [tilespmem:s14], [sflag:$0x1], $0x80, v4, vm0, $0xb8;
	[tilespmem:$0x10100] =	vst v63  }
0xa9: {  	s21 =	simm.s32 $0x9100;
	v3 =	vadd.s32 v1, v3  }
0xaa: {  	[hbm4b:s5+s2] =	stream.indirect_vreg.scatter [tilespmem:s21], [sflag:$0x1], $0x80, v4, vm0, $0xb8;
	[tilespmem:$0x10100] =	vst v63  }
0xab: {  	s22 =	simm.s32 $0x9900  }
0xac: {  	[hbm4b:s6+s2] =	stream.indirect_vreg.scatter [tilespmem:s22], [sflag:$0x1], $0x80, v4, vm0, $0xb8;
	[tilespmem:$0x10100] =	vst v63  }
0xad: {  	s23 =	simm.s32 $0xA100  }
0xae: {  	[hbm4b:s3+s2] =	stream.indirect_vreg.scatter [tilespmem:s23], [sflag:$0x1], $0x80, v3, vm0, $0xb8;
	[tilespmem:$0x10100] =	vst v63  }
0xaf: {  	s24 =	simm.s32 $0xA900  }
0xb0: {  	[hbm4b:s4+s2] =	stream.indirect_vreg.scatter [tilespmem:s24], [sflag:$0x1], $0x80, v3, vm0, $0xb8;
	[tilespmem:$0x10100] =	vst v63  }
0xb1: {  	s30 =	simm.s32 $0xB100  }
0xb2: {  	[hbm4b:s5+s2] =	stream.indirect_vreg.scatter [tilespmem:s30], [sflag:$0x1], $0x80, v3, vm0, $0xb8;
	[tilespmem:$0x10100] =	vst v63  }
0xb3: {  	s0 =	simm.s32 $0xB900  }
0xb4: {  	[hbm4b:s6+s2] =	stream.indirect_vreg.scatter [tilespmem:s0], [sflag:$0x1], $0x80, v3, vm0, $0xb8;
	[tilespmem:$0x10100] =	vst v63  }
0xb5: {  	v3 =	vld [tilespmem:$0xB0];
	_ =	sdelay $0x4  }
0xb6: {  	v55 =	vshll.u32 v3, $0x3  }
0xb7: {  	v3 =	vand.u32 $0x7, v3;
	v4 =	vand.u32 $0xFFFFFFC0, v55  }
0xb8: {  	v3 =	vor.u32 v3, v4  }
0xb9: {  	v4 =	vperm.xlane v3, v0;
	_ =	sdelay $0x1  }
0xba: {  	v4 =	vadd.s32 v1, v4;
	_ =	sdelay $0x3  }
0xbb: {  	s9 =	simm.s32 $0xC100  }
0xbc: {  	[hbm4b:s3+s2] =	stream.indirect_vreg.scatter [tilespmem:s9], [sflag:$0x1], $0x80, v4, vm0, $0xb8;
	[tilespmem:$0x10100] =	vst v63  }
0xbd: {  	s10 =	simm.s32 $0xC900;
	v3 =	vperm.xlane v3, v2  }
0xbe: {  	[hbm4b:s4+s2] =	stream.indirect_vreg.scatter [tilespmem:s10], [sflag:$0x1], $0x80, v4, vm0, $0xb8;
	[tilespmem:$0x10100] =	vst v63  }
0xbf: {  	s31 =	simm.s32 $0xD100;
	v3 =	vadd.s32 v1, v3  }
0xc0: {  	[hbm4b:s5+s2] =	stream.indirect_vreg.scatter [tilespmem:s31], [sflag:$0x1], $0x80, v4, vm0, $0xb8;
	[tilespmem:$0x10100] =	vst v63  }
0xc1: {  	s11 =	simm.s32 $0xD900  }
0xc2: {  	[hbm4b:s6+s2] =	stream.indirect_vreg.scatter [tilespmem:s11], [sflag:$0x1], $0x80, v4, vm0, $0xb8;
	[tilespmem:$0x10100] =	vst v63  }
0xc3: {  	s12 =	simm.s32 $0xE100  }
0xc4: {  	[hbm4b:s3+s2] =	stream.indirect_vreg.scatter [tilespmem:s12], [sflag:$0x1], $0x80, v3, vm0, $0xb8;
	[tilespmem:$0x10100] =	vst v63  }
0xc5: {  	s21 =	simm.s32 $0xE900  }
0xc6: {  	[hbm4b:s4+s2] =	stream.indirect_vreg.scatter [tilespmem:s21], [sflag:$0x1], $0x80, v3, vm0, $0xb8;
	[tilespmem:$0x10100] =	vst v63  }
0xc7: {  	s31 =	simm.s32 $0xF100  }
0xc8: {  	[hbm4b:s5+s2] =	stream.indirect_vreg.scatter [tilespmem:s31], [sflag:$0x1], $0x80, v3, vm0, $0xb8;
	[tilespmem:$0x10100] =	vst v63  }
0xc9: {  	s20 =	simm.s32 $0xF900  }
0xca: {  	[hbm4b:s6+s2] =	stream.indirect_vreg.scatter [tilespmem:s20], [sflag:$0x1], $0x80, v3, vm0, $0xb8;
	[tilespmem:$0x10100] =	vst v63  }
0xcb: {  	_ =	swait.ge [sflag:s19], $0x10000  }
0xcc: {  	[sflag:s19] =	ssyncset.done $0x0  }
0xcd: {  	[sflag:s19] =	ssyncadd.s32 $0xFFFF0000  }
0xce: {  	_ =	swait.ge [sflag:s19], $0x10000  }
0xcf: {  	[sflag:s19] =	ssyncset.done $0x0  }
0xd0: {  	s9 =	rddreg [dreg:$0x6];
	[sflag:s19] =	ssyncadd.s32 $0xFFFF0000  }
0xd1: {  	[tilespmem:s2], [sflag:$0x2] =	stream.linear.gather [hbm4b:s9+s2], $0x40, $0x38;
	[tilespmem:$0x10100] =	vst v63  }
0xd2: {  	_ =	swait.ge [sflag:s8], $0x40  }
0xd3: {  	[sflag:s8] =	ssyncset.done $0x0  }
0xd4: {  	s11 =	simm.s32 $0x80;
	s10 =	rddreg [dreg:$0x7];
	[sflag:s8] =	ssyncadd.s32 $0xFFFFFFC0  }
0xd5: {  	[tilespmem:s11], [sflag:$0x2] =	stream.linear.gather [hbm4b:s10+s2], $0x40, $0x38;
	[tilespmem:$0x10100] =	vst v63  }
0xd6: {  	_ =	swait.ge [sflag:s8], $0x40  }
0xd7: {  	[sflag:s8] =	ssyncset.done $0x0  }
0xd8: {  	s12 =	rddreg [dreg:$0x8];
	[sflag:s8] =	ssyncadd.s32 $0xFFFFFFC0  }
0xd9: {  	[tilespmem:s13], [sflag:$0x2] =	stream.linear.gather [hbm4b:s12+s2], $0x10000, $0x38;
	[tilespmem:$0x10100] =	vst v63  }
0xda: {  	_ =	swait.ge [sflag:s8], $0x10000  }
0xdb: {  	[sflag:s8] =	ssyncset.done $0x0  }
0xdc: {  	[sflag:s8] =	ssyncadd.s32 $0xFFFF0000  }
0xdd: {  	v3 =	vld [tilespmem:$0x0];
	_ =	sdelay $0x4  }
0xde: {  	v56 =	vshll.u32 v3, $0x3  }
0xdf: {  	v3 =	vand.u32 $0x7, v3;
	v4 =	vand.u32 $0xFFFFFFC0, v56  }
0xe0: {  	v3 =	vor.u32 v3, v4  }
0xe1: {  	v4 =	vperm.xlane v3, v0;
	_ =	sdelay $0x1  }
0xe2: {  	v4 =	vadd.s32 v1, v4;
	_ =	sdelay $0x4  }
0xe3: {  	[hbm4b:s3+s2] =	stream.indirect_vreg.scatter [tilespmem:s13], [sflag:$0x1], $0x80, v4, vm0, $0xb8;
	[tilespmem:$0x10100] =	vst v63  }
0xe4: {  	s21 =	simm.s32 $0x900;
	v3 =	vperm.xlane v3, v2  }
0xe5: {  	[hbm4b:s4+s2] =	stream.indirect_vreg.scatter [tilespmem:s21], [sflag:$0x1], $0x80, v4, vm0, $0xb8;
	[tilespmem:$0x10100] =	vst v63  }
0xe6: {  	s15 =	simm.s32 $0x1100;
	v3 =	vadd.s32 v1, v3  }
0xe7: {  	[hbm4b:s5+s2] =	stream.indirect_vreg.scatter [tilespmem:s15], [sflag:$0x1], $0x80, v4, vm0, $0xb8;
	[tilespmem:$0x10100] =	vst v63  }
0xe8: {  	s25 =	simm.s32 $0x1900  }
0xe9: {  	[hbm4b:s6+s2] =	stream.indirect_vreg.scatter [tilespmem:s25], [sflag:$0x1], $0x80, v4, vm0, $0xb8;
	[tilespmem:$0x10100] =	vst v63  }
0xea: {  	s26 =	simm.s32 $0x2100  }
0xeb: {  	[hbm4b:s3+s2] =	stream.indirect_vreg.scatter [tilespmem:s26], [sflag:$0x1], $0x80, v3, vm0, $0xb8;
	[tilespmem:$0x10100] =	vst v63  }
0xec: {  	s28 =	simm.s32 $0x2900  }
0xed: {  	[hbm4b:s4+s2] =	stream.indirect_vreg.scatter [tilespmem:s28], [sflag:$0x1], $0x80, v3, vm0, $0xb8;
	[tilespmem:$0x10100] =	vst v63  }
0xee: {  	s29 =	simm.s32 $0x3100  }
0xef: {  	[hbm4b:s5+s2] =	stream.indirect_vreg.scatter [tilespmem:s29], [sflag:$0x1], $0x80, v3, vm0, $0xb8;
	[tilespmem:$0x10100] =	vst v63  }
0xf0: {  	s9 =	simm.s32 $0x3900  }
0xf1: {  	[hbm4b:s6+s2] =	stream.indirect_vreg.scatter [tilespmem:s9], [sflag:$0x1], $0x80, v3, vm0, $0xb8;
	[tilespmem:$0x10100] =	vst v63  }
0xf2: {  	v3 =	vld [tilespmem:$0x10];
	_ =	sdelay $0x4  }
0xf3: {  	v57 =	vshll.u32 v3, $0x3  }
0xf4: {  	v3 =	vand.u32 $0x7, v3;
	v4 =	vand.u32 $0xFFFFFFC0, v57  }
0xf5: {  	v3 =	vor.u32 v3, v4  }
0xf6: {  	v4 =	vperm.xlane v3, v0;
	_ =	sdelay $0x1  }
0xf7: {  	v4 =	vadd.s32 v1, v4;
	_ =	sdelay $0x3  }
0xf8: {  	s10 =	simm.s32 $0x4100  }
0xf9: {  	[hbm4b:s3+s2] =	stream.indirect_vreg.scatter [tilespmem:s10], [sflag:$0x1], $0x80, v4, vm0, $0xb8;
	[tilespmem:$0x10100] =	vst v63  }
0xfa: {  	s11 =	simm.s32 $0x4900;
	v3 =	vperm.xlane v3, v2  }
0xfb: {  	[hbm4b:s4+s2] =	stream.indirect_vreg.scatter [tilespmem:s11], [sflag:$0x1], $0x80, v4, vm0, $0xb8;
	[tilespmem:$0x10100] =	vst v63  }
0xfc: {  	s12 =	simm.s32 $0x5100;
	v3 =	vadd.s32 v1, v3  }
0xfd: {  	[hbm4b:s5+s2] =	stream.indirect_vreg.scatter [tilespmem:s12], [sflag:$0x1], $0x80, v4, vm0, $0xb8;
	[tilespmem:$0x10100] =	vst v63  }
0xfe: {  	_ = 	snop  }
0xff: {  	[hbm4b:s6+s2] =	stream.indirect_vreg.scatter [tilespmem:s1], [sflag:$0x1], $0x80, v4, vm0, $0xb8;
	[tilespmem:$0x10100] =	vst v63  }
0x100: {  	s16 =	simm.s32 $0x6100  }
0x101: {  	[hbm4b:s3+s2] =	stream.indirect_vreg.scatter [tilespmem:s16], [sflag:$0x1], $0x80, v3, vm0, $0xb8;
	[tilespmem:$0x10100] =	vst v63  }
0x102: {  	s17 =	simm.s32 $0x6900  }
0x103: {  	[hbm4b:s4+s2] =	stream.indirect_vreg.scatter [tilespmem:s17], [sflag:$0x1], $0x80, v3, vm0, $0xb8;
	[tilespmem:$0x10100] =	vst v63  }
0x104: {  	s18 =	simm.s32 $0x7100  }
0x105: {  	[hbm4b:s5+s2] =	stream.indirect_vreg.scatter [tilespmem:s18], [sflag:$0x1], $0x80, v3, vm0, $0xb8;
	[tilespmem:$0x10100] =	vst v63  }
0x106: {  	s1 =	simm.s32 $0x7900  }
0x107: {  	[hbm4b:s6+s2] =	stream.indirect_vreg.scatter [tilespmem:s1], [sflag:$0x1], $0x80, v3, vm0, $0xb8;
	[tilespmem:$0x10100] =	vst v63  }
0x108: {  	v3 =	vld [tilespmem:$0x20];
	_ =	sdelay $0x4  }
0x109: {  	v58 =	vshll.u32 v3, $0x3  }
0x10a: {  	v3 =	vand.u32 $0x7, v3;
	v4 =	vand.u32 $0xFFFFFFC0, v58  }
0x10b: {  	v3 =	vor.u32 v3, v4  }
0x10c: {  	v4 =	vperm.xlane v3, v0;
	_ =	sdelay $0x1  }
0x10d: {  	v4 =	vadd.s32 v1, v4;
	_ =	sdelay $0x3  }
0x10e: {  	s11 =	simm.s32 $0x8100  }
0x10f: {  	[hbm4b:s3+s2] =	stream.indirect_vreg.scatter [tilespmem:s11], [sflag:$0x1], $0x80, v4, vm0, $0xb8;
	[tilespmem:$0x10100] =	vst v63  }
0x110: {  	s12 =	simm.s32 $0x8900;
	v3 =	vperm.xlane v3, v2  }
0x111: {  	[hbm4b:s4+s2] =	stream.indirect_vreg.scatter [tilespmem:s12], [sflag:$0x1], $0x80, v4, vm0, $0xb8;
	[tilespmem:$0x10100] =	vst v63  }
0x112: {  	s14 =	simm.s32 $0x9100;
	v3 =	vadd.s32 v1, v3  }
0x113: {  	[hbm4b:s5+s2] =	stream.indirect_vreg.scatter [tilespmem:s14], [sflag:$0x1], $0x80, v4, vm0, $0xb8;
	[tilespmem:$0x10100] =	vst v63  }
0x114: {  	s22 =	simm.s32 $0x9900  }
0x115: {  	[hbm4b:s6+s2] =	stream.indirect_vreg.scatter [tilespmem:s22], [sflag:$0x1], $0x80, v4, vm0, $0xb8;
	[tilespmem:$0x10100] =	vst v63  }
0x116: {  	s23 =	simm.s32 $0xA100  }
0x117: {  	[hbm4b:s3+s2] =	stream.indirect_vreg.scatter [tilespmem:s23], [sflag:$0x1], $0x80, v3, vm0, $0xb8;
	[tilespmem:$0x10100] =	vst v63  }
0x118: {  	s20 =	simm.s32 $0xA900  }
0x119: {  	[hbm4b:s4+s2] =	stream.indirect_vreg.scatter [tilespmem:s20], [sflag:$0x1], $0x80, v3, vm0, $0xb8;
	[tilespmem:$0x10100] =	vst v63  }
0x11a: {  	s20 =	simm.s32 $0xB100  }
0x11b: {  	[hbm4b:s5+s2] =	stream.indirect_vreg.scatter [tilespmem:s20], [sflag:$0x1], $0x80, v3, vm0, $0xb8;
	[tilespmem:$0x10100] =	vst v63  }
0x11c: {  	s24 =	simm.s32 $0xB900  }
0x11d: {  	[hbm4b:s6+s2] =	stream.indirect_vreg.scatter [tilespmem:s24], [sflag:$0x1], $0x80, v3, vm0, $0xb8;
	[tilespmem:$0x10100] =	vst v63  }
0x11e: {  	v3 =	vld [tilespmem:$0x30];
	_ =	sdelay $0x4  }
0x11f: {  	v59 =	vshll.u32 v3, $0x3  }
0x120: {  	v3 =	vand.u32 $0x7, v3;
	v4 =	vand.u32 $0xFFFFFFC0, v59  }
0x121: {  	v3 =	vor.u32 v3, v4  }
0x122: {  	v4 =	vperm.xlane v3, v0;
	_ =	sdelay $0x1  }
0x123: {  	v4 =	vadd.s32 v1, v4;
	_ =	sdelay $0x3  }
0x124: {  	s30 =	simm.s32 $0xC100  }
0x125: {  	[hbm4b:s3+s2] =	stream.indirect_vreg.scatter [tilespmem:s30], [sflag:$0x1], $0x80, v4, vm0, $0xb8;
	[tilespmem:$0x10100] =	vst v63  }
0x126: {  	s9 =	simm.s32 $0xC900;
	v3 =	vperm.xlane v3, v2  }
0x127: {  	[hbm4b:s4+s2] =	stream.indirect_vreg.scatter [tilespmem:s9], [sflag:$0x1], $0x80, v4, vm0, $0xb8;
	[tilespmem:$0x10100] =	vst v63  }
0x128: {  	s10 =	simm.s32 $0xD100;
	v3 =	vadd.s32 v1, v3  }
0x129: {  	[hbm4b:s5+s2] =	stream.indirect_vreg.scatter [tilespmem:s10], [sflag:$0x1], $0x80, v4, vm0, $0xb8;
	[tilespmem:$0x10100] =	vst v63  }
0x12a: {  	s0 =	simm.s32 $0xD900  }
0x12b: {  	[hbm4b:s6+s2] =	stream.indirect_vreg.scatter [tilespmem:s0], [sflag:$0x1], $0x80, v4, vm0, $0xb8;
	[tilespmem:$0x10100] =	vst v63  }
0x12c: {  	s0 =	simm.s32 $0xE100  }
0x12d: {  	[hbm4b:s3+s2] =	stream.indirect_vreg.scatter [tilespmem:s0], [sflag:$0x1], $0x80, v3, vm0, $0xb8;
	[tilespmem:$0x10100] =	vst v63  }
0x12e: {  	s0 =	simm.s32 $0xE900  }
0x12f: {  	[hbm4b:s4+s2] =	stream.indirect_vreg.scatter [tilespmem:s0], [sflag:$0x1], $0x80, v3, vm0, $0xb8;
	[tilespmem:$0x10100] =	vst v63  }
0x130: {  	s31 =	simm.s32 $0xF100  }
0x131: {  	[hbm4b:s5+s2] =	stream.indirect_vreg.scatter [tilespmem:s31], [sflag:$0x1], $0x80, v3, vm0, $0xb8;
	[tilespmem:$0x10100] =	vst v63  }
0x132: {  	s0 =	simm.s32 $0xF900  }
0x133: {  	[hbm4b:s6+s2] =	stream.indirect_vreg.scatter [tilespmem:s0], [sflag:$0x1], $0x80, v3, vm0, $0xb8;
	[tilespmem:$0x10100] =	vst v63  }
0x134: {  	v3 =	vld [tilespmem:$0x80];
	_ =	sdelay $0x4  }
0x135: {  	v60 =	vshll.u32 v3, $0x3  }
0x136: {  	v3 =	vand.u32 $0x7, v3;
	v4 =	vand.u32 $0xFFFFFFC0, v60  }
0x137: {  	v3 =	vor.u32 v3, v4  }
0x138: {  	v4 =	vperm.xlane v3, v0;
	_ =	sdelay $0x1  }
0x139: {  	v4 =	vadd.s32 v1, v4;
	_ =	sdelay $0x4  }
0x13a: {  	[hbm4b:s3+s2] =	stream.indirect_vreg.scatter [tilespmem:s13], [sflag:$0x1], $0x80, v4, vm0, $0xb8;
	[tilespmem:$0x10100] =	vst v63  }
0x13b: {  	v3 =	vperm.xlane v3, v2;
	s13 =	simm.s32 $0x900  }
0x13c: {  	[hbm4b:s4+s2] =	stream.indirect_vreg.scatter [tilespmem:s13], [sflag:$0x1], $0x80, v4, vm0, $0xb8;
	[tilespmem:$0x10100] =	vst v63  }
0x13d: {  	v3 =	vadd.s32 v1, v3;
	s13 =	simm.s32 $0x1100  }
0x13e: {  	[hbm4b:s5+s2] =	stream.indirect_vreg.scatter [tilespmem:s13], [sflag:$0x1], $0x80, v4, vm0, $0xb8;
	[tilespmem:$0x10100] =	vst v63  }
0x13f: {  	s25 =	simm.s32 $0x1900  }
0x140: {  	[hbm4b:s6+s2] =	stream.indirect_vreg.scatter [tilespmem:s25], [sflag:$0x1], $0x80, v4, vm0, $0xb8;
	[tilespmem:$0x10100] =	vst v63  }
0x141: {  	s26 =	simm.s32 $0x2100  }
0x142: {  	[hbm4b:s3+s2] =	stream.indirect_vreg.scatter [tilespmem:s26], [sflag:$0x1], $0x80, v3, vm0, $0xb8;
	[tilespmem:$0x10100] =	vst v63  }
0x143: {  	s28 =	simm.s32 $0x2900  }
0x144: {  	[hbm4b:s4+s2] =	stream.indirect_vreg.scatter [tilespmem:s28], [sflag:$0x1], $0x80, v3, vm0, $0xb8;
	[tilespmem:$0x10100] =	vst v63  }
0x145: {  	s29 =	simm.s32 $0x3100  }
0x146: {  	[hbm4b:s5+s2] =	stream.indirect_vreg.scatter [tilespmem:s29], [sflag:$0x1], $0x80, v3, vm0, $0xb8;
	[tilespmem:$0x10100] =	vst v63  }
0x147: {  	s28 =	simm.s32 $0x3900  }
0x148: {  	[hbm4b:s6+s2] =	stream.indirect_vreg.scatter [tilespmem:s28], [sflag:$0x1], $0x80, v3, vm0, $0xb8;
	[tilespmem:$0x10100] =	vst v63  }
0x149: {  	v3 =	vld [tilespmem:$0x90];
	_ =	sdelay $0x4  }
0x14a: {  	v61 =	vshll.u32 v3, $0x3  }
0x14b: {  	v3 =	vand.u32 $0x7, v3;
	v4 =	vand.u32 $0xFFFFFFC0, v61  }
0x14c: {  	v3 =	vor.u32 v3, v4  }
0x14d: {  	v4 =	vperm.xlane v3, v0;
	_ =	sdelay $0x1  }
0x14e: {  	v4 =	vadd.s32 v1, v4;
	_ =	sdelay $0x3  }
0x14f: {  	s29 =	simm.s32 $0x4100  }
0x150: {  	[hbm4b:s3+s2] =	stream.indirect_vreg.scatter [tilespmem:s29], [sflag:$0x1], $0x80, v4, vm0, $0xb8;
	[tilespmem:$0x10100] =	vst v63  }
0x151: {  	s25 =	simm.s32 $0x4900;
	v3 =	vperm.xlane v3, v2  }
0x152: {  	[hbm4b:s4+s2] =	stream.indirect_vreg.scatter [tilespmem:s25], [sflag:$0x1], $0x80, v4, vm0, $0xb8;
	[tilespmem:$0x10100] =	vst v63  }
0x153: {  	s15 =	simm.s32 $0x5100;
	v3 =	vadd.s32 v1, v3  }
0x154: {  	[hbm4b:s5+s2] =	stream.indirect_vreg.scatter [tilespmem:s15], [sflag:$0x1], $0x80, v4, vm0, $0xb8;
	[tilespmem:$0x10100] =	vst v63  }
0x155: {  	s21 =	simm.s32 $0x5900  }
0x156: {  	[hbm4b:s6+s2] =	stream.indirect_vreg.scatter [tilespmem:s21], [sflag:$0x1], $0x80, v4, vm0, $0xb8;
	[tilespmem:$0x10100] =	vst v63  }
0x157: {  	s16 =	simm.s32 $0x6100  }
0x158: {  	[hbm4b:s3+s2] =	stream.indirect_vreg.scatter [tilespmem:s16], [sflag:$0x1], $0x80, v3, vm0, $0xb8;
	[tilespmem:$0x10100] =	vst v63  }
0x159: {  	s17 =	simm.s32 $0x6900  }
0x15a: {  	[hbm4b:s4+s2] =	stream.indirect_vreg.scatter [tilespmem:s17], [sflag:$0x1], $0x80, v3, vm0, $0xb8;
	[tilespmem:$0x10100] =	vst v63  }
0x15b: {  	s18 =	simm.s32 $0x7100  }
0x15c: {  	[hbm4b:s5+s2] =	stream.indirect_vreg.scatter [tilespmem:s18], [sflag:$0x1], $0x80, v3, vm0, $0xb8;
	[tilespmem:$0x10100] =	vst v63  }
0x15d: {  	_ = 	snop  }
0x15e: {  	[hbm4b:s6+s2] =	stream.indirect_vreg.scatter [tilespmem:s1], [sflag:$0x1], $0x80, v3, vm0, $0xb8;
	[tilespmem:$0x10100] =	vst v63  }
0x15f: {  	v3 =	vld [tilespmem:$0xA0];
	_ =	sdelay $0x4  }
0x160: {  	v62 =	vshll.u32 v3, $0x3  }
0x161: {  	v3 =	vand.u32 $0x7, v3;
	v4 =	vand.u32 $0xFFFFFFC0, v62  }
0x162: {  	v3 =	vor.u32 v3, v4  }
0x163: {  	v4 =	vperm.xlane v3, v0;
	_ =	sdelay $0x1  }
0x164: {  	v4 =	vadd.s32 v1, v4;
	_ =	sdelay $0x4  }
0x165: {  	[hbm4b:s3+s2] =	stream.indirect_vreg.scatter [tilespmem:s11], [sflag:$0x1], $0x80, v4, vm0, $0xb8;
	[tilespmem:$0x10100] =	vst v63  }
0x166: {  	v3 =	vperm.xlane v3, v2  }
0x167: {  	[hbm4b:s4+s2] =	stream.indirect_vreg.scatter [tilespmem:s12], [sflag:$0x1], $0x80, v4, vm0, $0xb8;
	[tilespmem:$0x10100] =	vst v63  }
0x168: {  	s14 =	simm.s32 $0x9100;
	v3 =	vadd.s32 v1, v3  }
0x169: {  	[hbm4b:s5+s2] =	stream.indirect_vreg.scatter [tilespmem:s14], [sflag:$0x1], $0x80, v4, vm0, $0xb8;
	[tilespmem:$0x10100] =	vst v63  }
0x16a: {  	s22 =	simm.s32 $0x9900  }
0x16b: {  	[hbm4b:s6+s2] =	stream.indirect_vreg.scatter [tilespmem:s22], [sflag:$0x1], $0x80, v4, vm0, $0xb8;
	[tilespmem:$0x10100] =	vst v63  }
0x16c: {  	s23 =	simm.s32 $0xA100  }
0x16d: {  	[hbm4b:s3+s2] =	stream.indirect_vreg.scatter [tilespmem:s23], [sflag:$0x1], $0x80, v3, vm0, $0xb8;
	[tilespmem:$0x10100] =	vst v63  }
0x16e: {  	s26 =	simm.s32 $0xA900  }
0x16f: {  	[hbm4b:s4+s2] =	stream.indirect_vreg.scatter [tilespmem:s26], [sflag:$0x1], $0x80, v3, vm0, $0xb8;
	[tilespmem:$0x10100] =	vst v63  }
0x170: {  	_ = 	snop  }
0x171: {  	[hbm4b:s5+s2] =	stream.indirect_vreg.scatter [tilespmem:s20], [sflag:$0x1], $0x80, v3, vm0, $0xb8;
	[tilespmem:$0x10100] =	vst v63  }
0x172: {  	s24 =	simm.s32 $0xB900  }
0x173: {  	[hbm4b:s6+s2] =	stream.indirect_vreg.scatter [tilespmem:s24], [sflag:$0x1], $0x80, v3, vm0, $0xb8;
	[tilespmem:$0x10100] =	vst v63  }
0x174: {  	v3 =	vld [tilespmem:$0xB0];
	_ =	sdelay $0x4  }
0x175: {  	v63 =	vshll.u32 v3, $0x3  }
0x176: {  	v3 =	vand.u32 $0x7, v3;
	v4 =	vand.u32 $0xFFFFFFC0, v63  }
0x177: {  	v3 =	vor.u32 v3, v4  }
0x178: {  	v4 =	vperm.xlane v3, v0;
	_ =	sdelay $0x1  }
0x179: {  	v4 =	vadd.s32 v1, v4;
	_ =	sdelay $0x3  }
0x17a: {  	s30 =	simm.s32 $0xC100  }
0x17b: {  	[hbm4b:s3+s2] =	stream.indirect_vreg.scatter [tilespmem:s30], [sflag:$0x1], $0x80, v4, vm0, $0xb8;
	[tilespmem:$0x10100] =	vst v63  }
0x17c: {  	v3 =	vperm.xlane v3, v2  }
0x17d: {  	[hbm4b:s4+s2] =	stream.indirect_vreg.scatter [tilespmem:s9], [sflag:$0x1], $0x80, v4, vm0, $0xb8;
	[tilespmem:$0x10100] =	vst v63  }
0x17e: {  	v3 =	vadd.s32 v1, v3  }
0x17f: {  	[hbm4b:s5+s2] =	stream.indirect_vreg.scatter [tilespmem:s10], [sflag:$0x1], $0x80, v4, vm0, $0xb8;
	[tilespmem:$0x10100] =	vst v63  }
0x180: {  	s28 =	simm.s32 $0xD900  }
0x181: {  	[hbm4b:s6+s2] =	stream.indirect_vreg.scatter [tilespmem:s28], [sflag:$0x1], $0x80, v4, vm0, $0xb8;
	[tilespmem:$0x10100] =	vst v63  }
0x182: {  	s29 =	simm.s32 $0xE100  }
0x183: {  	[hbm4b:s3+s2] =	stream.indirect_vreg.scatter [tilespmem:s29], [sflag:$0x1], $0x80, v3, vm0, $0xb8;
	[tilespmem:$0x10100] =	vst v63  }
0x184: {  	s30 =	simm.s32 $0xE900  }
0x185: {  	[hbm4b:s4+s2] =	stream.indirect_vreg.scatter [tilespmem:s30], [sflag:$0x1], $0x80, v3, vm0, $0xb8;
	[tilespmem:$0x10100] =	vst v63  }
0x186: {  	s31 =	simm.s32 $0xF100  }
0x187: {  	[hbm4b:s5+s2] =	stream.indirect_vreg.scatter [tilespmem:s31], [sflag:$0x1], $0x80, v3, vm0, $0xb8;
	[tilespmem:$0x10100] =	vst v63  }
0x188: {  	_ = 	snop  }
0x189: {  	[hbm4b:s6+s2] =	stream.indirect_vreg.scatter [tilespmem:s0], [sflag:$0x1], $0x80, v3, vm0, $0xb8;
	[tilespmem:$0x10100] =	vst v63  }
0x18a: {  	p0 =	sne.s32 s7, $0x1;
	_ =	swait.ge [sflag:s19], $0x10000  }
.Ltmp0:
0x18b: {  	[sflag:s19] =	ssyncset.done $0x0;
	(pc) =	sbr.rel @p0 .LBB2_1-.Ltmp0, $4  }
0x18c: {  	[sflag:s19] =	ssyncadd.s32 $0xFFFF0000  }
0x18d: {  	_ =	swait.ge [sflag:s19], $0x10000  }
0x18e: {  	[sflag:s19] =	ssyncset.done $0x0  }
0x18f: {  	s7 =	sadd.s32 $0xFFFFFFFF, s7;
	[sflag:s19] =	ssyncadd.s32 $0xFFFF0000  }
0x190: {  	_ =	sfence.sel $0x180000  }
0x191: {  	[bflag:$0x0] =	sbarrier.arrive $0xFFFF  }
0x192: {  	_ =	strace $0x90000047  }
0x193: {  	s0 =	stileid.u32;
	[bflag:$0x2] =	sbarrier.arrive $0xFFFF  }
0x194: {  	p0 =	sne.s32 s0, $0x0;
	s0 =	rddreg [dreg:$0x2]  }
0x195: {  	s0 =	sadd.s32 @!p0 $0x100000, s0  }
0x196: {  	[sflag:s0] =	ssyncadd.tile.s32 @!p0 $0x1;
	_ =	shalt  }
.Lfunc_end2:
_tile_overlayer_lowered:
.L_overlay_start_2:
0x197: {  	(tag) =	ssettag $0x2  }
0x198: {  	s0 =	rddreg [dreg:$0x0];
	s2 =	stileid.u32  }
0x199: {  	s1 =	rddreg [dreg:$0x1];
	p0 =	sne.s32 s2, $0x0  }
0x19a: {  	s3 =	rddreg [dreg:$0x2];
	[bflag:$0x3] =	sbarrier.arrive $0xFFFF;
	s2 =	simm.s32 @!p0 $0x1C02  }
0x19b: {  	[timem:s3], [sflag:s2] =	dma.local @!p0 [hbm:s0], s1  }
0x19c: {  	s0 =	simm.s32 @!p0 $0x2  }
0x19d: {  	_ =	swait.ge @!p0 [sflag:s0], s1  }
0x19e: {  	s1 =	ssub.s32 @!p0 $0x0, s1;
	[sflag:s0] =	ssyncset.done @!p0 $0x0  }
0x19f: {  	[sflag:s0] =	ssyncadd.s32 @!p0 s1  }
0x1a0: {  	[bflag:$0x3] =	sbarrier.arrive $0xFFFF  }
0x1a1: {  	_ =	shalt  }

</sc_bundles>
